<compile_context>
chip_gen: v7x
topology: tpu7x:2x2x1
jax: 0.10.2.dev20260603
libtpu: 0.0.44.dev20260713+nightly
codegen_flags: <defaults>
</compile_context>

<pallas_src>
import functools

import jax
import jax.numpy as jnp
from jax import lax
from jax.experimental import pallas as pl
from jax.experimental.pallas import tpu as pltpu
from jax.experimental.pallas import tpu_sc as plsc

_NORM_START = 5000
_NQ = 8
_TPAD = 512


def _leaky(x):
    return jnp.where(x >= 0, x, 0.01 * x)


def _argmin_onehot(d, k):
    dmin = jnp.min(d, axis=1, keepdims=True)
    iota = lax.broadcasted_iota(jnp.int32, d.shape, 1)
    idx = jnp.min(jnp.where(d == dmin, iota, k), axis=1)
    return (iota == idx[:, None]).astype(jnp.float32)


def _dist(x, cb, cn):
    m = lax.dot_general(x, cb, (((1,), (1,)), ((), ())),
                        preferred_element_type=jnp.float32)
    s = jnp.sum(x * x, axis=1, keepdims=True)
    return (s - 2.0 * m) + cn


def _linvq_idx_body(f_ref, cb_ref, out_ref, cn_ref):
    @pl.when(pl.program_id(0) == 0)
    def _():
        cb0 = cb_ref[...]
        cn_ref[...] = jnp.sum(cb0 * cb0, axis=1)[None, :]

    ft = f_ref[0].T
    d = _dist(ft, cb_ref[...], cn_ref[...])
    dmin = jnp.min(d, axis=1, keepdims=True)
    iota = lax.broadcasted_iota(jnp.int32, d.shape, 1)
    idx = jnp.min(jnp.where(d == dmin, iota, d.shape[1]), axis=1)
    tpad = out_ref.shape[2] - idx.shape[0]
    out_ref[...] = jnp.pad(idx, (0, tpad))[None, None, :]


def _mlp3(h, w1, b1, w2, b2, w3, b3, act, act_last):
    h = act(jnp.dot(h, w1, preferred_element_type=jnp.float32) + b1)
    h = act(jnp.dot(h, w2, preferred_element_type=jnp.float32) + b2)
    h = jnp.dot(h, w3, preferred_element_type=jnp.float32) + b3
    return act_last(h)


def _relu(x):
    return jax.nn.relu(x)


def _ident(x):
    return x


def _fused_body(lo_branch, f_ref, ld_ref,
                ew1, eb1, ew2, eb2, ew3, eb3,
                nw1, nb1, nw2, nb2, nw3, nb3,
                cbs_ref, dw1, db1, dw2, db2, dw3, db3,
                out_ref, cbn_ref):
    @pl.when(pl.program_id(0) == 0)
    def _():
        for i in range(_NQ):
            cbi = cbs_ref[i]
            cbn_ref[i, :] = jnp.sum(cbi * cbi, axis=1)

    f = f_ref[0].T
    ld = ld_ref[0][:f.shape[0]]
    spk_raw = f - ld
    spk_enc = _mlp3(spk_raw, ew1[...], eb1[...], ew2[...], eb2[...],
                    ew3[...], eb3[...], _leaky, _ident)
    if lo_branch:
        ld_ref_enc = _mlp3(ld, ew1[...], eb1[...], ew2[...], eb2[...],
                           ew3[...], eb3[...], _leaky, _ident)
        nv = spk_enc - ld_ref_enc
    else:
        nv = _mlp3(ld, nw1[...], nb1[...], nw2[...], nb2[...],
                   nw3[...], nb3[...], _relu, _relu)
    sen = spk_enc / (nv + 1e-08)

    res = sen
    quant = jnp.zeros_like(sen)
    for i in range(_NQ):
        cbi = cbs_ref[i]
        oh = _argmin_onehot(_dist(res, cbi, cbn_ref[i][None, :]),
                            cbi.shape[0])
        q = jnp.dot(oh, cbi, preferred_element_type=jnp.float32)
        quant = quant + q
        res = res - q
    q_spk = sen + (quant - sen)
    den = q_spk * nv
    spk_dec = _mlp3(den, dw1[...], db1[...], dw2[...], db2[...],
                    dw3[...], db3[...], _leaky, _ident)
    out_ref[0] = (ld + spk_dec).T


def _full(shape):
    zeros = (0,) * len(shape)
    return pl.BlockSpec(shape, lambda i, z=zeros: z)


def _params():
    return pltpu.CompilerParams(dimension_semantics=("arbitrary",))


def _linvq_idx(feature, centroid):
    b, c, t = feature.shape
    k = centroid.shape[0]
    return pl.pallas_call(
        _linvq_idx_body,
        grid=(b,),
        in_specs=[pl.BlockSpec((1, c, t), lambda i: (i, 0, 0)),
                  _full((k, c))],
        out_specs=pl.BlockSpec((1, 1, _TPAD), lambda i: (i, 0, 0)),
        out_shape=jax.ShapeDtypeStruct((b, 1, _TPAD), jnp.int32),
        scratch_shapes=[pltpu.VMEM((1, k), jnp.float32)],
        compiler_params=_params(),
    )(feature, centroid)


def _sc_gather(table, idx, rows_per_chunk):
    info = plsc.get_sparse_core_info()
    nw = info.num_cores * info.num_subcores
    b = idx.shape[0]
    d = table.shape[1]
    b_per_w = b // nw
    nchunks = b_per_w // rows_per_chunk
    mesh = plsc.VectorSubcoreMesh(core_axis_name="c", subcore_axis_name="s")

    def body(table_hbm, idx_hbm, out_hbm, idx_v, rows_v, sem):
        wid = lax.axis_index("s") * info.num_cores + lax.axis_index("c")
        base = wid * b_per_w
        for j in range(nchunks):
            off = base + j * rows_per_chunk
            pltpu.sync_copy(idx_hbm.at[pl.ds(off, rows_per_chunk)], idx_v)
            pltpu.async_copy(table_hbm.at[idx_v], rows_v, sem).wait()
            pltpu.sync_copy(rows_v, out_hbm.at[pl.ds(off, rows_per_chunk)])

    fn = pl.kernel(
        body,
        mesh=mesh,
        out_type=jax.ShapeDtypeStruct((b, d), jnp.float32),
        scratch_types=[
            pltpu.VMEM((rows_per_chunk,), jnp.int32),
            pltpu.VMEM((rows_per_chunk, d), jnp.float32),
            pltpu.SemaphoreType.DMA,
        ],
    )
    return fn(table, idx)


def _fused(lo_branch, feature, lin_dec,
           ew1, eb1, ew2, eb2, ew3, eb3,
           nw1, nb1, nw2, nb2, nw3, nb3,
           codebooks, dw1, db1, dw2, db2, dw3, db3):
    b, c, t = feature.shape
    wspecs = [_full(ew1.shape), _full(eb1.shape), _full(ew2.shape),
              _full(eb2.shape), _full(ew3.shape), _full(eb3.shape),
              _full(nw1.shape), _full(nb1.shape), _full(nw2.shape),
              _full(nb2.shape), _full(nw3.shape), _full(nb3.shape),
              _full(codebooks.shape),
              _full(dw1.shape), _full(db1.shape), _full(dw2.shape),
              _full(db2.shape), _full(dw3.shape), _full(db3.shape)]
    return pl.pallas_call(
        functools.partial(_fused_body, lo_branch),
        grid=(b,),
        in_specs=[pl.BlockSpec((1, c, t), lambda i: (i, 0, 0)),
                  pl.BlockSpec((1, _TPAD, c), lambda i: (i, 0, 0))] + wspecs,
        out_specs=pl.BlockSpec((1, c, t), lambda i: (i, 0, 0)),
        out_shape=jax.ShapeDtypeStruct((b, c, t), jnp.float32),
        scratch_shapes=[pltpu.VMEM((_NQ, codebooks.shape[1]), jnp.float32)],
        compiler_params=_params(),
    )(feature, lin_dec, ew1, eb1, ew2, eb2, ew3, eb3,
      nw1, nb1, nw2, nb2, nw3, nb3,
      codebooks, dw1, db1, dw2, db2, dw3, db3)


def kernel(feature, centroid, enc_w1, enc_b1, enc_w2, enc_b2, enc_w3, enc_b3,
           dec_w1, dec_b1, dec_w2, dec_b2, dec_w3, dec_b3,
           nrm_w1, nrm_b1, nrm_w2, nrm_b2, nrm_w3, nrm_b3,
           codebooks, iteration):
    b, c, t = feature.shape
    n = b * t

    eb1, eb2, eb3 = enc_b1[None, :], enc_b2[None, :], enc_b3[None, :]
    nb1, nb2, nb3 = nrm_b1[None, :], nrm_b2[None, :], nrm_b3[None, :]
    db1, db2, db3 = dec_b1[None, :], dec_b2[None, :], dec_b3[None, :]

    del n
    idx = _linvq_idx(feature, centroid).reshape(b * _TPAD)
    lin_dec = _sc_gather(centroid, idx, 64).reshape(b, _TPAD, c)

    args = (feature, lin_dec, enc_w1, eb1, enc_w2, eb2, enc_w3, eb3,
            nrm_w1, nb1, nrm_w2, nb2, nrm_w3, nb3,
            codebooks, dec_w1, db1, dec_w2, db2, dec_w3, db3)
    return lax.cond(
        iteration > _NORM_START,
        lambda *a: _fused(False, *a),
        lambda *a: _fused(True, *a),
        *args)

# --- scband reference (transcript-rebuilt; emitter-appended) ---
"""Pipeline reference for scband-m04-adaptive-vq-15195594293439 (READ-ONLY COPY).

The authoritative reference and input builder live on the scoring server;
editing this copy changes nothing except your own understanding.
"""

import jax, jax.numpy as jnp
import numpy as np

B, C, T = 8, 1024, 500
K = 1024
H = 512
D = 256
NQ = 8
BINS = 1024
NORM_START = 5000


def setup_inputs(seed: int = 0):
    key = jax.random.key(seed)
    ks = jax.random.split(key, 16)
    inp = {}
    inp['feature'] = jax.random.normal(ks[0], (B, C, T), jnp.float32)
    inp['centroid'] = jax.random.normal(ks[1], (K, C), jnp.float32)

    def lin(k, i, o):
        kw, kb = jax.random.split(k)
        w = jax.random.normal(kw, (i, o), jnp.float32) * (1.0 / np.sqrt(i))
        b = jax.random.normal(kb, (o,), jnp.float32) * 0.01
        return w, b

    inp['enc_w1'], inp['enc_b1'] = lin(ks[2], C, H)
    inp['enc_w2'], inp['enc_b2'] = lin(ks[3], H, H)
    inp['enc_w3'], inp['enc_b3'] = lin(ks[4], H, D)
    inp['dec_w1'], inp['dec_b1'] = lin(ks[5], D, H)
    inp['dec_w2'], inp['dec_b2'] = lin(ks[6], H, H)
    inp['dec_w3'], inp['dec_b3'] = lin(ks[7], H, C)
    inp['nrm_w1'], inp['nrm_b1'] = lin(ks[8], C, H)
    inp['nrm_w2'], inp['nrm_b2'] = lin(ks[9], H, H)
    inp['nrm_w3'], inp['nrm_b3'] = lin(ks[10], H, D)
    inp['codebooks'] = jax.random.normal(ks[11], (NQ, BINS, D), jnp.float32)
    inp['iteration'] = 100000
    return inp


def _mlp_leaky(x, w1, b1, w2, b2, w3, b3):
    # (B, C_in, T) -> transpose -> MLP with LeakyReLU between layers -> (B, C_out, T)
    h = x.transpose(0, 2, 1)
    h = jax.nn.leaky_relu(h @ w1 + b1, 0.01)
    h = jax.nn.leaky_relu(h @ w2 + b2, 0.01)
    h = h @ w3 + b3
    return h.transpose(0, 2, 1)


def _mlp_relu_all(x, w1, b1, w2, b2, w3, b3):
    # SpeakerNormalizer: ReLU after every layer, including the last
    h = x.transpose(0, 2, 1)
    h = jax.nn.relu(h @ w1 + b1)
    h = jax.nn.relu(h @ w2 + b2)
    h = jax.nn.relu(h @ w3 + b3)
    return h.transpose(0, 2, 1)


def _vq_lookup(flat, cb):
    # flat: (N, d); cb: (K, d). dist = ||z||^2 - 2 z c^T + ||c||^2, argmin, gather.
    d = (flat ** 2).sum(1, keepdims=True) - 2.0 * (flat @ cb.T) + (cb ** 2).sum(1)
    idx = jnp.argmin(d, axis=1)
    return cb[idx]


def reference(feature, centroid, enc_w1, enc_b1, enc_w2, enc_b2, enc_w3, enc_b3,
              dec_w1, dec_b1, dec_w2, dec_b2, dec_w3, dec_b3,
              nrm_w1, nrm_b1, nrm_w2, nrm_b2, nrm_w3, nrm_b3,
              codebooks, iteration):
    Bc, Cc, Tc = feature.shape
    # linguistic VQ: nearest centroid lookup
    lin_flat = feature.transpose(0, 2, 1).reshape(-1, Cc)
    lin_dec_flat = _vq_lookup(lin_flat, centroid)
    lin_dec = lin_dec_flat.reshape(Bc, Tc, Cc).transpose(0, 2, 1)
    # speaker residual
    spk_raw = feature - lin_dec
    spk_enc = _mlp_leaky(spk_raw, enc_w1, enc_b1, enc_w2, enc_b2, enc_w3, enc_b3)
    norm_vec_hi = _mlp_relu_all(lin_dec, nrm_w1, nrm_b1, nrm_w2, nrm_b2, nrm_w3, nrm_b3)
    lin_dec_ref = jax.lax.stop_gradient(
        _mlp_leaky(lin_dec, enc_w1, enc_b1, enc_w2, enc_b2, enc_w3, enc_b3))
    norm_vec_lo = spk_enc - lin_dec_ref
    norm_vec = jnp.where(iteration > NORM_START, norm_vec_hi, norm_vec_lo)
    spk_enc_norm = spk_enc / (norm_vec + 1e-08)
    # residual VQ (EnCodec-style, straight-through)
    res = spk_enc_norm.transpose(0, 2, 1).reshape(-1, D)
    quant = jnp.zeros_like(res)
    for i in range(NQ):
        q = _vq_lookup(res, codebooks[i])
        quant = quant + q
        res = res - q
    quant = quant.reshape(Bc, Tc, D).transpose(0, 2, 1)
    q_spk_enc = spk_enc_norm + jax.lax.stop_gradient(quant - spk_enc_norm)
    spk_enc_denorm = q_spk_enc * norm_vec
    spk_dec = _mlp_leaky(spk_enc_denorm, dec_w1, dec_b1, dec_w2, dec_b2, dec_w3, dec_b3)
    dec_feature = lin_dec + spk_dec
    return dec_feature

if __name__ == "__main__":
    import jax
    _d = setup_inputs()
    print(jax.jit(kernel)(*tuple(_d.values())))

</pallas_src>

<mosaic_0001>
#map = affine_map<(d0, d1) -> (0, 0)>
#map1 = affine_map<(d0, d1) -> (0)>
module attributes {stable_mosaic.version = 14 : i64} {
  func.func @body(%arg0: i32, %arg1: i32, %arg2: memref<1024x1024xf32, #tpu.memory_space<hbm>>, %arg3: memref<4096xi32, #tpu.memory_space<hbm>>, %arg4: memref<4096x1024xf32, #tpu.memory_space<hbm>>, %arg5: memref<64xi32, #tpu.memory_space<vmem>>, %arg6: memref<64x1024xf32, #tpu.memory_space<vmem>>, %arg7: memref<!tpu.dma_semaphore, #tpu.memory_space<semaphore_mem>>) attributes {dimension_semantics = [#tpu.dimension_semantics<core_parallel>, #tpu.dimension_semantics<subcore_parallel>], iteration_bounds = array<i64: 2, 16>, scalar_prefetch = 0 : i64, scratch_operands = 3 : i64, tpu.core_type = #tpu.core_type<sc_vector_subcore>, window_params = [{transform_indices = #map}, {transform_indices = #map1}, {transform_indices = #map}]} {
    %mul3A = arith.constant 2 : i32
    %mul3A_0 = arith.muli %arg1, %mul3A : i32
    %add3A = arith.addi %mul3A_0, %arg0 : i32
    %mul3A_1 = arith.constant 128 : i32
    %mul3A_2 = arith.muli %add3A, %mul3A_1 : i32
    %add3A_3 = arith.constant 0 : i32
    %add3A_4 = arith.addi %mul3A_2, %add3A_3 : i32
    "tpu.region"() ({
      %run_scoped3A = tpu.sem_alloc : memref<!tpu.dma_semaphore, #tpu.memory_space<semaphore_mem>>
      %dma_start3A_17 = tpu.memref_slice %arg3[%add3A_4] : memref<4096xi32, #tpu.memory_space<hbm>> -> memref<64xi32, #tpu.memory_space<hbm>>
      %dma_start3A_18 = tpu.memref_slice %arg3[%add3A_4] : memref<4096xi32, #tpu.memory_space<hbm>> -> memref<64xi32, #tpu.memory_space<hbm>>
      tpu.enqueue_dma source(%dma_start3A_18 : memref<64xi32, #tpu.memory_space<hbm>>) target(%arg5 : memref<64xi32, #tpu.memory_space<vmem>>) target_semaphore(%run_scoped3A : memref<!tpu.dma_semaphore, #tpu.memory_space<semaphore_mem>>)
      %dma_wait3A_19 = tpu.memref_slice %arg3[%add3A_4] : memref<4096xi32, #tpu.memory_space<hbm>> -> memref<64xi32, #tpu.memory_space<hbm>>
      %dma_wait3A_20 = tpu.memref_slice %arg3[%add3A_4] : memref<4096xi32, #tpu.memory_space<hbm>> -> memref<64xi32, #tpu.memory_space<hbm>>
      tpu.wait_dma2 semaphore(%run_scoped3A : memref<!tpu.dma_semaphore, #tpu.memory_space<semaphore_mem>>) src(%dma_wait3A_20 : memref<64xi32, #tpu.memory_space<hbm>>) dst(%arg5 : memref<64xi32, #tpu.memory_space<vmem>>)
      tpu.yield
    }) : () -> ()
    %dma_start3A = arith.constant 0 : i32
    %dma_start3A_5 = arith.constant 0 : i32
    %dma_start3A_6 = tpu.memref_slice %arg2[%dma_start3A, %dma_start3A_5] : memref<1024x1024xf32, #tpu.memory_space<hbm>> -> memref<1024x1024xf32, #tpu.memory_space<hbm>>
    tpu.enqueue_indirect_dma source(%dma_start3A_6 : memref<1024x1024xf32, #tpu.memory_space<hbm>>) target(%arg6 : memref<64x1024xf32, #tpu.memory_space<vmem>>) offsets(%arg5 : memref<64xi32, #tpu.memory_space<vmem>>) semaphore(%arg7 : memref<!tpu.dma_semaphore, #tpu.memory_space<semaphore_mem>>)
    %dma_wait3A = arith.constant 0 : i32
    %dma_wait3A_7 = arith.constant 0 : i32
    %dma_wait3A_8 = tpu.memref_slice %arg2[%dma_wait3A, %dma_wait3A_7] : memref<1024x1024xf32, #tpu.memory_space<hbm>> -> memref<1024x1024xf32, #tpu.memory_space<hbm>>
    tpu.wait_indirect_dma semaphore(%arg7 : memref<!tpu.dma_semaphore, #tpu.memory_space<semaphore_mem>>) src(%dma_wait3A_8 : memref<1024x1024xf32, #tpu.memory_space<hbm>>) dst(%arg6 : memref<64x1024xf32, #tpu.memory_space<vmem>>)
    "tpu.region"() ({
      %run_scoped3A = tpu.sem_alloc : memref<!tpu.dma_semaphore, #tpu.memory_space<semaphore_mem>>
      %dma_start3A_17 = arith.constant 0 : i32
      %dma_start3A_18 = tpu.memref_slice %arg4[%add3A_4, %dma_start3A_17] : memref<4096x1024xf32, #tpu.memory_space<hbm>> -> memref<64x1024xf32, #tpu.memory_space<hbm>>
      %dma_start3A_19 = arith.constant 0 : i32
      %dma_start3A_20 = tpu.memref_slice %arg4[%add3A_4, %dma_start3A_19] : memref<4096x1024xf32, #tpu.memory_space<hbm>> -> memref<64x1024xf32, #tpu.memory_space<hbm>>
      tpu.enqueue_dma source(%arg6 : memref<64x1024xf32, #tpu.memory_space<vmem>>) target(%dma_start3A_20 : memref<64x1024xf32, #tpu.memory_space<hbm>>) target_semaphore(%run_scoped3A : memref<!tpu.dma_semaphore, #tpu.memory_space<semaphore_mem>>)
      %dma_wait3A_21 = arith.constant 0 : i32
      %dma_wait3A_22 = tpu.memref_slice %arg4[%add3A_4, %dma_wait3A_21] : memref<4096x1024xf32, #tpu.memory_space<hbm>> -> memref<64x1024xf32, #tpu.memory_space<hbm>>
      %dma_wait3A_23 = arith.constant 0 : i32
      %dma_wait3A_24 = tpu.memref_slice %arg4[%add3A_4, %dma_wait3A_23] : memref<4096x1024xf32, #tpu.memory_space<hbm>> -> memref<64x1024xf32, #tpu.memory_space<hbm>>
      tpu.wait_dma2 semaphore(%run_scoped3A : memref<!tpu.dma_semaphore, #tpu.memory_space<semaphore_mem>>) src(%arg6 : memref<64x1024xf32, #tpu.memory_space<vmem>>) dst(%dma_wait3A_24 : memref<64x1024xf32, #tpu.memory_space<hbm>>)
      tpu.yield
    }) : () -> ()
    %add3A_9 = arith.constant 64 : i32
    %add3A_10 = arith.addi %mul3A_2, %add3A_9 : i32
    "tpu.region"() ({
      %run_scoped3A = tpu.sem_alloc : memref<!tpu.dma_semaphore, #tpu.memory_space<semaphore_mem>>
      %dma_start3A_17 = tpu.memref_slice %arg3[%add3A_10] : memref<4096xi32, #tpu.memory_space<hbm>> -> memref<64xi32, #tpu.memory_space<hbm>>
      %dma_start3A_18 = tpu.memref_slice %arg3[%add3A_10] : memref<4096xi32, #tpu.memory_space<hbm>> -> memref<64xi32, #tpu.memory_space<hbm>>
      tpu.enqueue_dma source(%dma_start3A_18 : memref<64xi32, #tpu.memory_space<hbm>>) target(%arg5 : memref<64xi32, #tpu.memory_space<vmem>>) target_semaphore(%run_scoped3A : memref<!tpu.dma_semaphore, #tpu.memory_space<semaphore_mem>>)
      %dma_wait3A_19 = tpu.memref_slice %arg3[%add3A_10] : memref<4096xi32, #tpu.memory_space<hbm>> -> memref<64xi32, #tpu.memory_space<hbm>>
      %dma_wait3A_20 = tpu.memref_slice %arg3[%add3A_10] : memref<4096xi32, #tpu.memory_space<hbm>> -> memref<64xi32, #tpu.memory_space<hbm>>
      tpu.wait_dma2 semaphore(%run_scoped3A : memref<!tpu.dma_semaphore, #tpu.memory_space<semaphore_mem>>) src(%dma_wait3A_20 : memref<64xi32, #tpu.memory_space<hbm>>) dst(%arg5 : memref<64xi32, #tpu.memory_space<vmem>>)
      tpu.yield
    }) : () -> ()
    %dma_start3A_11 = arith.constant 0 : i32
    %dma_start3A_12 = arith.constant 0 : i32
    %dma_start3A_13 = tpu.memref_slice %arg2[%dma_start3A_11, %dma_start3A_12] : memref<1024x1024xf32, #tpu.memory_space<hbm>> -> memref<1024x1024xf32, #tpu.memory_space<hbm>>
    tpu.enqueue_indirect_dma source(%dma_start3A_13 : memref<1024x1024xf32, #tpu.memory_space<hbm>>) target(%arg6 : memref<64x1024xf32, #tpu.memory_space<vmem>>) offsets(%arg5 : memref<64xi32, #tpu.memory_space<vmem>>) semaphore(%arg7 : memref<!tpu.dma_semaphore, #tpu.memory_space<semaphore_mem>>)
    %dma_wait3A_14 = arith.constant 0 : i32
    %dma_wait3A_15 = arith.constant 0 : i32
    %dma_wait3A_16 = tpu.memref_slice %arg2[%dma_wait3A_14, %dma_wait3A_15] : memref<1024x1024xf32, #tpu.memory_space<hbm>> -> memref<1024x1024xf32, #tpu.memory_space<hbm>>
    tpu.wait_indirect_dma semaphore(%arg7 : memref<!tpu.dma_semaphore, #tpu.memory_space<semaphore_mem>>) src(%dma_wait3A_16 : memref<1024x1024xf32, #tpu.memory_space<hbm>>) dst(%arg6 : memref<64x1024xf32, #tpu.memory_space<vmem>>)
    "tpu.region"() ({
      %run_scoped3A = tpu.sem_alloc : memref<!tpu.dma_semaphore, #tpu.memory_space<semaphore_mem>>
      %dma_start3A_17 = arith.constant 0 : i32
      %dma_start3A_18 = tpu.memref_slice %arg4[%add3A_10, %dma_start3A_17] : memref<4096x1024xf32, #tpu.memory_space<hbm>> -> memref<64x1024xf32, #tpu.memory_space<hbm>>
      %dma_start3A_19 = arith.constant 0 : i32
      %dma_start3A_20 = tpu.memref_slice %arg4[%add3A_10, %dma_start3A_19] : memref<4096x1024xf32, #tpu.memory_space<hbm>> -> memref<64x1024xf32, #tpu.memory_space<hbm>>
      tpu.enqueue_dma source(%arg6 : memref<64x1024xf32, #tpu.memory_space<vmem>>) target(%dma_start3A_20 : memref<64x1024xf32, #tpu.memory_space<hbm>>) target_semaphore(%run_scoped3A : memref<!tpu.dma_semaphore, #tpu.memory_space<semaphore_mem>>)
      %dma_wait3A_21 = arith.constant 0 : i32
      %dma_wait3A_22 = tpu.memref_slice %arg4[%add3A_10, %dma_wait3A_21] : memref<4096x1024xf32, #tpu.memory_space<hbm>> -> memref<64x1024xf32, #tpu.memory_space<hbm>>
      %dma_wait3A_23 = arith.constant 0 : i32
      %dma_wait3A_24 = tpu.memref_slice %arg4[%add3A_10, %dma_wait3A_23] : memref<4096x1024xf32, #tpu.memory_space<hbm>> -> memref<64x1024xf32, #tpu.memory_space<hbm>>
      tpu.wait_dma2 semaphore(%run_scoped3A : memref<!tpu.dma_semaphore, #tpu.memory_space<semaphore_mem>>) src(%arg6 : memref<64x1024xf32, #tpu.memory_space<vmem>>) dst(%dma_wait3A_24 : memref<64x1024xf32, #tpu.memory_space<hbm>>)
      tpu.yield
    }) : () -> ()
    return
  }
}

module attributes {stable_mosaic.version = 14 : i64} {
  func.func @_fused_body(%arg0: i32, %arg1: memref<1x1024x500xf32, #tpu.memory_space<vmem>>, %arg2: memref<1x512x1024xf32, #tpu.memory_space<vmem>>, %arg3: memref<1024x512xf32, #tpu.memory_space<vmem>>, %arg4: memref<1x512xf32, #tpu.memory_space<vmem>>, %arg5: memref<512x512xf32, #tpu.memory_space<vmem>>, %arg6: memref<1x512xf32, #tpu.memory_space<vmem>>, %arg7: memref<512x256xf32, #tpu.memory_space<vmem>>, %arg8: memref<1x256xf32, #tpu.memory_space<vmem>>, %arg9: memref<1024x512xf32, #tpu.memory_space<vmem>>, %arg10: memref<1x512xf32, #tpu.memory_space<vmem>>, %arg11: memref<512x512xf32, #tpu.memory_space<vmem>>, %arg12: memref<1x512xf32, #tpu.memory_space<vmem>>, %arg13: memref<512x256xf32, #tpu.memory_space<vmem>>, %arg14: memref<1x256xf32, #tpu.memory_space<vmem>>, %arg15: memref<8x1024x256xf32, #tpu.memory_space<vmem>>, %arg16: memref<256x512xf32, #tpu.memory_space<vmem>>, %arg17: memref<1x512xf32, #tpu.memory_space<vmem>>, %arg18: memref<512x512xf32, #tpu.memory_space<vmem>>, %arg19: memref<1x512xf32, #tpu.memory_space<vmem>>, %arg20: memref<512x1024xf32, #tpu.memory_space<vmem>>, %arg21: memref<1x1024xf32, #tpu.memory_space<vmem>>, %arg22: memref<1x1024x500xf32, #tpu.memory_space<vmem>>, %arg23: memref<8x1024xf32, #tpu.memory_space<vmem>>) attributes {dimension_semantics = [#tpu.dimension_semantics<arbitrary>], iteration_bounds = array<i64: 8>, scalar_prefetch = 0 : i64, scratch_operands = 1 : i64, tpu.core_type = #tpu.core_type<tc>, window_params = [{transform_indices = @transform_0, window_bounds = array<i64: 1, 1024, 500>}, {transform_indices = @transform_1, window_bounds = array<i64: 1, 512, 1024>}, {pipeline_mode = #tpu.pipeline_mode<synchronous>, transform_indices = @transform_2, window_bounds = array<i64: 1024, 512>}, {pipeline_mode = #tpu.pipeline_mode<synchronous>, transform_indices = @transform_3, window_bounds = array<i64: 1, 512>}, {pipeline_mode = #tpu.pipeline_mode<synchronous>, transform_indices = @transform_4, window_bounds = array<i64: 512, 512>}, {pipeline_mode = #tpu.pipeline_mode<synchronous>, transform_indices = @transform_5, window_bounds = array<i64: 1, 512>}, {pipeline_mode = #tpu.pipeline_mode<synchronous>, transform_indices = @transform_6, window_bounds = array<i64: 512, 256>}, {pipeline_mode = #tpu.pipeline_mode<synchronous>, transform_indices = @transform_7, window_bounds = array<i64: 1, 256>}, {pipeline_mode = #tpu.pipeline_mode<synchronous>, transform_indices = @transform_8, window_bounds = array<i64: 1024, 512>}, {pipeline_mode = #tpu.pipeline_mode<synchronous>, transform_indices = @transform_9, window_bounds = array<i64: 1, 512>}, {pipeline_mode = #tpu.pipeline_mode<synchronous>, transform_indices = @transform_10, window_bounds = array<i64: 512, 512>}, {pipeline_mode = #tpu.pipeline_mode<synchronous>, transform_indices = @transform_11, window_bounds = array<i64: 1, 512>}, {pipeline_mode = #tpu.pipeline_mode<synchronous>, transform_indices = @transform_12, window_bounds = array<i64: 512, 256>}, {pipeline_mode = #tpu.pipeline_mode<synchronous>, transform_indices = @transform_13, window_bounds = array<i64: 1, 256>}, {pipeline_mode = #tpu.pipeline_mode<synchronous>, transform_indices = @transform_14, window_bounds = array<i64: 8, 1024, 256>}, {pipeline_mode = #tpu.pipeline_mode<synchronous>, transform_indices = @transform_15, window_bounds = array<i64: 256, 512>}, {pipeline_mode = #tpu.pipeline_mode<synchronous>, transform_indices = @transform_16, window_bounds = array<i64: 1, 512>}, {pipeline_mode = #tpu.pipeline_mode<synchronous>, transform_indices = @transform_17, window_bounds = array<i64: 512, 512>}, {pipeline_mode = #tpu.pipeline_mode<synchronous>, transform_indices = @transform_18, window_bounds = array<i64: 1, 512>}, {pipeline_mode = #tpu.pipeline_mode<synchronous>, transform_indices = @transform_19, window_bounds = array<i64: 512, 1024>}, {pipeline_mode = #tpu.pipeline_mode<synchronous>, transform_indices = @transform_20, window_bounds = array<i64: 1, 1024>}, {transform_indices = @transform_21, window_bounds = array<i64: 1, 1024, 500>}]} {
    %eq3A = arith.constant 0 : i32
    %eq3A_0 = arith.cmpi eq, %arg0, %eq3A : i32
    %convert_element_type3A = arith.extui %eq3A_0 : i1 to i32
    %cond3A = arith.constant 0 : i32
    %cond3A_1 = arith.cmpi ne, %convert_element_type3A, %cond3A : i32
    scf.if %cond3A_1 {
      %get3A_492 = arith.constant 0 : index
      %get3A_493 = arith.constant 0 : index
      %get3A_494 = arith.constant 0 : index
      %get3A_495 = vector.load %arg15[%get3A_492, %get3A_493, %get3A_494] : memref<8x1024x256xf32, #tpu.memory_space<vmem>>, vector<1x1024x256xf32>
      %get3A_496 = vector.shape_cast %get3A_495 : vector<1x1024x256xf32> to vector<1024x256xf32>
      %mul3A_497 = arith.mulf %get3A_496, %get3A_496 : vector<1024x256xf32>
      %reduce_sum3A_498 = arith.constant dense<0.000000e+00> : vector<1024xf32>
      %reduce_sum3A_499 = vector.multi_reduction <add>, %mul3A_497, %reduce_sum3A_498 [1] : vector<1024x256xf32> to vector<1024xf32>
      %swap3A_500 = arith.constant 0 : index
      %swap3A_501 = arith.constant 0 : index
      %swap3A_502 = vector.load %arg23[%swap3A_500, %swap3A_501] : memref<8x1024xf32, #tpu.memory_space<vmem>>, vector<1x1024xf32>
      %swap3A_503 = vector.shape_cast %swap3A_502 : vector<1x1024xf32> to vector<1024xf32>
      %swap3A_504 = vector.shape_cast %reduce_sum3A_499 : vector<1024xf32> to vector<1x1024xf32>
      tpu.vector_store %arg23[%swap3A_500, %swap3A_501], %swap3A_504 {strides = array<i32>} : memref<8x1024xf32, #tpu.memory_space<vmem>>, vector<1x1024xf32>,
      %get3A_505 = arith.constant 1 : index
      %get3A_506 = arith.constant 0 : index
      %get3A_507 = arith.constant 0 : index
      %get3A_508 = vector.load %arg15[%get3A_505, %get3A_506, %get3A_507] : memref<8x1024x256xf32, #tpu.memory_space<vmem>>, vector<1x1024x256xf32>
      %get3A_509 = vector.shape_cast %get3A_508 : vector<1x1024x256xf32> to vector<1024x256xf32>
      %mul3A_510 = arith.mulf %get3A_509, %get3A_509 : vector<1024x256xf32>
      %reduce_sum3A_511 = arith.constant dense<0.000000e+00> : vector<1024xf32>
      %reduce_sum3A_512 = vector.multi_reduction <add>, %mul3A_510, %reduce_sum3A_511 [1] : vector<1024x256xf32> to vector<1024xf32>
      %swap3A_513 = arith.constant 1 : index
      %swap3A_514 = arith.constant 0 : index
      %swap3A_515 = vector.load %arg23[%swap3A_513, %swap3A_514] : memref<8x1024xf32, #tpu.memory_space<vmem>>, vector<1x1024xf32>
      %swap3A_516 = vector.shape_cast %swap3A_515 : vector<1x1024xf32> to vector<1024xf32>
      %swap3A_517 = vector.shape_cast %reduce_sum3A_512 : vector<1024xf32> to vector<1x1024xf32>
      tpu.vector_store %arg23[%swap3A_513, %swap3A_514], %swap3A_517 {strides = array<i32>} : memref<8x1024xf32, #tpu.memory_space<vmem>>, vector<1x1024xf32>,
      %get3A_518 = arith.constant 2 : index
      %get3A_519 = arith.constant 0 : index
      %get3A_520 = arith.constant 0 : index
      %get3A_521 = vector.load %arg15[%get3A_518, %get3A_519, %get3A_520] : memref<8x1024x256xf32, #tpu.memory_space<vmem>>, vector<1x1024x256xf32>
      %get3A_522 = vector.shape_cast %get3A_521 : vector<1x1024x256xf32> to vector<1024x256xf32>
      %mul3A_523 = arith.mulf %get3A_522, %get3A_522 : vector<1024x256xf32>
      %reduce_sum3A_524 = arith.constant dense<0.000000e+00> : vector<1024xf32>
      %reduce_sum3A_525 = vector.multi_reduction <add>, %mul3A_523, %reduce_sum3A_524 [1] : vector<1024x256xf32> to vector<1024xf32>
      %swap3A_526 = arith.constant 2 : index
      %swap3A_527 = arith.constant 0 : index
      %swap3A_528 = vector.load %arg23[%swap3A_526, %swap3A_527] : memref<8x1024xf32, #tpu.memory_space<vmem>>, vector<1x1024xf32>
      %swap3A_529 = vector.shape_cast %swap3A_528 : vector<1x1024xf32> to vector<1024xf32>
      %swap3A_530 = vector.shape_cast %reduce_sum3A_525 : vector<1024xf32> to vector<1x1024xf32>
      tpu.vector_store %arg23[%swap3A_526, %swap3A_527], %swap3A_530 {strides = array<i32>} : memref<8x1024xf32, #tpu.memory_space<vmem>>, vector<1x1024xf32>,
      %get3A_531 = arith.constant 3 : index
      %get3A_532 = arith.constant 0 : index
      %get3A_533 = arith.constant 0 : index
      %get3A_534 = vector.load %arg15[%get3A_531, %get3A_532, %get3A_533] : memref<8x1024x256xf32, #tpu.memory_space<vmem>>, vector<1x1024x256xf32>
      %get3A_535 = vector.shape_cast %get3A_534 : vector<1x1024x256xf32> to vector<1024x256xf32>
      %mul3A_536 = arith.mulf %get3A_535, %get3A_535 : vector<1024x256xf32>
      %reduce_sum3A_537 = arith.constant dense<0.000000e+00> : vector<1024xf32>
      %reduce_sum3A_538 = vector.multi_reduction <add>, %mul3A_536, %reduce_sum3A_537 [1] : vector<1024x256xf32> to vector<1024xf32>
      %swap3A_539 = arith.constant 3 : index
      %swap3A_540 = arith.constant 0 : index
      %swap3A_541 = vector.load %arg23[%swap3A_539, %swap3A_540] : memref<8x1024xf32, #tpu.memory_space<vmem>>, vector<1x1024xf32>
      %swap3A_542 = vector.shape_cast %swap3A_541 : vector<1x1024xf32> to vector<1024xf32>
      %swap3A_543 = vector.shape_cast %reduce_sum3A_538 : vector<1024xf32> to vector<1x1024xf32>
      tpu.vector_store %arg23[%swap3A_539, %swap3A_540], %swap3A_543 {strides = array<i32>} : memref<8x1024xf32, #tpu.memory_space<vmem>>, vector<1x1024xf32>,
      %get3A_544 = arith.constant 4 : index
      %get3A_545 = arith.constant 0 : index
      %get3A_546 = arith.constant 0 : index
      %get3A_547 = vector.load %arg15[%get3A_544, %get3A_545, %get3A_546] : memref<8x1024x256xf32, #tpu.memory_space<vmem>>, vector<1x1024x256xf32>
      %get3A_548 = vector.shape_cast %get3A_547 : vector<1x1024x256xf32> to vector<1024x256xf32>
      %mul3A_549 = arith.mulf %get3A_548, %get3A_548 : vector<1024x256xf32>
      %reduce_sum3A_550 = arith.constant dense<0.000000e+00> : vector<1024xf32>
      %reduce_sum3A_551 = vector.multi_reduction <add>, %mul3A_549, %reduce_sum3A_550 [1] : vector<1024x256xf32> to vector<1024xf32>
      %swap3A_552 = arith.constant 4 : index
      %swap3A_553 = arith.constant 0 : index
      %swap3A_554 = vector.load %arg23[%swap3A_552, %swap3A_553] : memref<8x1024xf32, #tpu.memory_space<vmem>>, vector<1x1024xf32>
      %swap3A_555 = vector.shape_cast %swap3A_554 : vector<1x1024xf32> to vector<1024xf32>
      %swap3A_556 = vector.shape_cast %reduce_sum3A_551 : vector<1024xf32> to vector<1x1024xf32>
      tpu.vector_store %arg23[%swap3A_552, %swap3A_553], %swap3A_556 {strides = array<i32>} : memref<8x1024xf32, #tpu.memory_space<vmem>>, vector<1x1024xf32>,
      %get3A_557 = arith.constant 5 : index
      %get3A_558 = arith.constant 0 : index
      %get3A_559 = arith.constant 0 : index
      %get3A_560 = vector.load %arg15[%get3A_557, %get3A_558, %get3A_559] : memref<8x1024x256xf32, #tpu.memory_space<vmem>>, vector<1x1024x256xf32>
      %get3A_561 = vector.shape_cast %get3A_560 : vector<1x1024x256xf32> to vector<1024x256xf32>
      %mul3A_562 = arith.mulf %get3A_561, %get3A_561 : vector<1024x256xf32>
      %reduce_sum3A_563 = arith.constant dense<0.000000e+00> : vector<1024xf32>
      %reduce_sum3A_564 = vector.multi_reduction <add>, %mul3A_562, %reduce_sum3A_563 [1] : vector<1024x256xf32> to vector<1024xf32>
      %swap3A_565 = arith.constant 5 : index
      %swap3A_566 = arith.constant 0 : index
      %swap3A_567 = vector.load %arg23[%swap3A_565, %swap3A_566] : memref<8x1024xf32, #tpu.memory_space<vmem>>, vector<1x1024xf32>
      %swap3A_568 = vector.shape_cast %swap3A_567 : vector<1x1024xf32> to vector<1024xf32>
      %swap3A_569 = vector.shape_cast %reduce_sum3A_564 : vector<1024xf32> to vector<1x1024xf32>
      tpu.vector_store %arg23[%swap3A_565, %swap3A_566], %swap3A_569 {strides = array<i32>} : memref<8x1024xf32, #tpu.memory_space<vmem>>, vector<1x1024xf32>,
      %get3A_570 = arith.constant 6 : index
      %get3A_571 = arith.constant 0 : index
      %get3A_572 = arith.constant 0 : index
      %get3A_573 = vector.load %arg15[%get3A_570, %get3A_571, %get3A_572] : memref<8x1024x256xf32, #tpu.memory_space<vmem>>, vector<1x1024x256xf32>
      %get3A_574 = vector.shape_cast %get3A_573 : vector<1x1024x256xf32> to vector<1024x256xf32>
      %mul3A_575 = arith.mulf %get3A_574, %get3A_574 : vector<1024x256xf32>
      %reduce_sum3A_576 = arith.constant dense<0.000000e+00> : vector<1024xf32>
      %reduce_sum3A_577 = vector.multi_reduction <add>, %mul3A_575, %reduce_sum3A_576 [1] : vector<1024x256xf32> to vector<1024xf32>
      %swap3A_578 = arith.constant 6 : index
      %swap3A_579 = arith.constant 0 : index
      %swap3A_580 = vector.load %arg23[%swap3A_578, %swap3A_579] : memref<8x1024xf32, #tpu.memory_space<vmem>>, vector<1x1024xf32>
      %swap3A_581 = vector.shape_cast %swap3A_580 : vector<1x1024xf32> to vector<1024xf32>
      %swap3A_582 = vector.shape_cast %reduce_sum3A_577 : vector<1024xf32> to vector<1x1024xf32>
      tpu.vector_store %arg23[%swap3A_578, %swap3A_579], %swap3A_582 {strides = array<i32>} : memref<8x1024xf32, #tpu.memory_space<vmem>>, vector<1x1024xf32>,
      %get3A_583 = arith.constant 7 : index
      %get3A_584 = arith.constant 0 : index
      %get3A_585 = arith.constant 0 : index
      %get3A_586 = vector.load %arg15[%get3A_583, %get3A_584, %get3A_585] : memref<8x1024x256xf32, #tpu.memory_space<vmem>>, vector<1x1024x256xf32>
      %get3A_587 = vector.shape_cast %get3A_586 : vector<1x1024x256xf32> to vector<1024x256xf32>
      %mul3A_588 = arith.mulf %get3A_587, %get3A_587 : vector<1024x256xf32>
      %reduce_sum3A_589 = arith.constant dense<0.000000e+00> : vector<1024xf32>
      %reduce_sum3A_590 = vector.multi_reduction <add>, %mul3A_588, %reduce_sum3A_589 [1] : vector<1024x256xf32> to vector<1024xf32>
      %swap3A_591 = arith.constant 7 : index
      %swap3A_592 = arith.constant 0 : index
      %swap3A_593 = vector.load %arg23[%swap3A_591, %swap3A_592] : memref<8x1024xf32, #tpu.memory_space<vmem>>, vector<1x1024xf32>
      %swap3A_594 = vector.shape_cast %swap3A_593 : vector<1x1024xf32> to vector<1024xf32>
      %swap3A_595 = vector.shape_cast %reduce_sum3A_590 : vector<1024xf32> to vector<1x1024xf32>
      tpu.vector_store %arg23[%swap3A_591, %swap3A_592], %swap3A_595 {strides = array<i32>} : memref<8x1024xf32, #tpu.memory_space<vmem>>, vector<1x1024xf32>,
    } else {
    }
    %get3A = arith.constant 0 : index
    %get3A_2 = arith.constant 0 : index
    %get3A_3 = arith.constant 0 : index
    %get3A_4 = vector.load %arg1[%get3A, %get3A_2, %get3A_3] : memref<1x1024x500xf32, #tpu.memory_space<vmem>>, vector<1x1024x500xf32>
    %get3A_5 = vector.shape_cast %get3A_4 : vector<1x1024x500xf32> to vector<1024x500xf32>
    %transpose3A = tpu.transpose %get3A_5, [1, 0] : vector<1024x500xf32> -> vector<500x1024xf32>
    %get3A_6 = arith.constant 0 : index
    %get3A_7 = arith.constant 0 : index
    %get3A_8 = arith.constant 0 : index
    %get3A_9 = vector.load %arg2[%get3A_6, %get3A_7, %get3A_8] : memref<1x512x1024xf32, #tpu.memory_space<vmem>>, vector<1x512x1024xf32>
    %get3A_10 = vector.shape_cast %get3A_9 : vector<1x512x1024xf32> to vector<512x1024xf32>
    %slice3A = vector.extract_strided_slice %get3A_10 {offsets = [0, 0], sizes = [500, 1024], strides = [1, 1]} : vector<512x1024xf32> to vector<500x1024xf32>
    %sub3A = arith.subf %transpose3A, %slice3A : vector<500x1024xf32>
    %get3A_11 = arith.constant 0 : index
    %get3A_12 = arith.constant 0 : index
    %get3A_13 = vector.load %arg3[%get3A_11, %get3A_12] : memref<1024x512xf32, #tpu.memory_space<vmem>>, vector<1024x512xf32>
    %get3A_14 = arith.constant 0 : index
    %get3A_15 = arith.constant 0 : index
    %get3A_16 = vector.load %arg4[%get3A_14, %get3A_15] : memref<1x512xf32, #tpu.memory_space<vmem>>, vector<1x512xf32>
    %get3A_17 = arith.constant 0 : index
    %get3A_18 = arith.constant 0 : index
    %get3A_19 = vector.load %arg5[%get3A_17, %get3A_18] : memref<512x512xf32, #tpu.memory_space<vmem>>, vector<512x512xf32>
    %get3A_20 = arith.constant 0 : index
    %get3A_21 = arith.constant 0 : index
    %get3A_22 = vector.load %arg6[%get3A_20, %get3A_21] : memref<1x512xf32, #tpu.memory_space<vmem>>, vector<1x512xf32>
    %get3A_23 = arith.constant 0 : index
    %get3A_24 = arith.constant 0 : index
    %get3A_25 = vector.load %arg7[%get3A_23, %get3A_24] : memref<512x256xf32, #tpu.memory_space<vmem>>, vector<512x256xf32>
    %get3A_26 = arith.constant 0 : index
    %get3A_27 = arith.constant 0 : index
    %get3A_28 = vector.load %arg8[%get3A_26, %get3A_27] : memref<1x256xf32, #tpu.memory_space<vmem>>, vector<1x256xf32>
    %dot_general3A = arith.constant dense<0.000000e+00> : vector<500x512xf32>
    %dot_general3A_29 = tpu.matmul %sub3A, %get3A_13, %dot_general3A {dimension_numbers = #tpu.dot_dimension_numbers<[1], [0], [0], [1], [0, 0, 1, 1], [], []>, transpose_lhs_hint = false} : vector<500x1024xf32>, vector<1024x512xf32>, vector<500x512xf32> -> vector<500x512xf32>
    %add3A = vector.broadcast %get3A_16 : vector<1x512xf32> to vector<500x512xf32>
    %add3A_30 = arith.addf %dot_general3A_29, %add3A : vector<500x512xf32>
    %ge3A = arith.constant 0.000000e+00 : f32
    %ge3A_31 = vector.broadcast %ge3A : f32 to vector<500x512xf32>
    %ge3A_32 = arith.cmpf oge, %add3A_30, %ge3A_31 : vector<500x512xf32>
    %mul3A = arith.constant 0.00999999977 : f32
    %mul3A_33 = vector.broadcast %mul3A : f32 to vector<500x512xf32>
    %mul3A_34 = arith.mulf %mul3A_33, %add3A_30 : vector<500x512xf32>
    %select_n3A = arith.select %ge3A_32, %add3A_30, %mul3A_34 : vector<500x512xi1>, vector<500x512xf32>
    %dot_general3A_35 = arith.constant dense<0.000000e+00> : vector<500x512xf32>
    %dot_general3A_36 = tpu.matmul %select_n3A, %get3A_19, %dot_general3A_35 {dimension_numbers = #tpu.dot_dimension_numbers<[1], [0], [0], [1], [0, 0, 1, 1], [], []>, transpose_lhs_hint = false} : vector<500x512xf32>, vector<512x512xf32>, vector<500x512xf32> -> vector<500x512xf32>
    %add3A_37 = vector.broadcast %get3A_22 : vector<1x512xf32> to vector<500x512xf32>
    %add3A_38 = arith.addf %dot_general3A_36, %add3A_37 : vector<500x512xf32>
    %ge3A_39 = arith.constant 0.000000e+00 : f32
    %ge3A_40 = vector.broadcast %ge3A_39 : f32 to vector<500x512xf32>
    %ge3A_41 = arith.cmpf oge, %add3A_38, %ge3A_40 : vector<500x512xf32>
    %mul3A_42 = arith.constant 0.00999999977 : f32
    %mul3A_43 = vector.broadcast %mul3A_42 : f32 to vector<500x512xf32>
    %mul3A_44 = arith.mulf %mul3A_43, %add3A_38 : vector<500x512xf32>
    %select_n3A_45 = arith.select %ge3A_41, %add3A_38, %mul3A_44 : vector<500x512xi1>, vector<500x512xf32>
    %dot_general3A_46 = arith.constant dense<0.000000e+00> : vector<500x256xf32>
    %dot_general3A_47 = tpu.matmul %select_n3A_45, %get3A_25, %dot_general3A_46 {dimension_numbers = #tpu.dot_dimension_numbers<[1], [0], [0], [1], [0, 0, 1, 1], [], []>, transpose_lhs_hint = false} : vector<500x512xf32>, vector<512x256xf32>, vector<500x256xf32> -> vector<500x256xf32>
    %add3A_48 = vector.broadcast %get3A_28 : vector<1x256xf32> to vector<500x256xf32>
    %add3A_49 = arith.addf %dot_general3A_47, %add3A_48 : vector<500x256xf32>
    %get3A_50 = arith.constant 0 : index
    %get3A_51 = arith.constant 0 : index
    %get3A_52 = vector.load %arg3[%get3A_50, %get3A_51] : memref<1024x512xf32, #tpu.memory_space<vmem>>, vector<1024x512xf32>
    %get3A_53 = arith.constant 0 : index
    %get3A_54 = arith.constant 0 : index
    %get3A_55 = vector.load %arg4[%get3A_53, %get3A_54] : memref<1x512xf32, #tpu.memory_space<vmem>>, vector<1x512xf32>
    %get3A_56 = arith.constant 0 : index
    %get3A_57 = arith.constant 0 : index
    %get3A_58 = vector.load %arg5[%get3A_56, %get3A_57] : memref<512x512xf32, #tpu.memory_space<vmem>>, vector<512x512xf32>
    %get3A_59 = arith.constant 0 : index
    %get3A_60 = arith.constant 0 : index
    %get3A_61 = vector.load %arg6[%get3A_59, %get3A_60] : memref<1x512xf32, #tpu.memory_space<vmem>>, vector<1x512xf32>
    %get3A_62 = arith.constant 0 : index
    %get3A_63 = arith.constant 0 : index
    %get3A_64 = vector.load %arg7[%get3A_62, %get3A_63] : memref<512x256xf32, #tpu.memory_space<vmem>>, vector<512x256xf32>
    %get3A_65 = arith.constant 0 : index
    %get3A_66 = arith.constant 0 : index
    %get3A_67 = vector.load %arg8[%get3A_65, %get3A_66] : memref<1x256xf32, #tpu.memory_space<vmem>>, vector<1x256xf32>
    %dot_general3A_68 = arith.constant dense<0.000000e+00> : vector<500x512xf32>
    %dot_general3A_69 = tpu.matmul %slice3A, %get3A_52, %dot_general3A_68 {dimension_numbers = #tpu.dot_dimension_numbers<[1], [0], [0], [1], [0, 0, 1, 1], [], []>, transpose_lhs_hint = false} : vector<500x1024xf32>, vector<1024x512xf32>, vector<500x512xf32> -> vector<500x512xf32>
    %add3A_70 = vector.broadcast %get3A_55 : vector<1x512xf32> to vector<500x512xf32>
    %add3A_71 = arith.addf %dot_general3A_69, %add3A_70 : vector<500x512xf32>
    %ge3A_72 = arith.constant 0.000000e+00 : f32
    %ge3A_73 = vector.broadcast %ge3A_72 : f32 to vector<500x512xf32>
    %ge3A_74 = arith.cmpf oge, %add3A_71, %ge3A_73 : vector<500x512xf32>
    %mul3A_75 = arith.constant 0.00999999977 : f32
    %mul3A_76 = vector.broadcast %mul3A_75 : f32 to vector<500x512xf32>
    %mul3A_77 = arith.mulf %mul3A_76, %add3A_71 : vector<500x512xf32>
    %select_n3A_78 = arith.select %ge3A_74, %add3A_71, %mul3A_77 : vector<500x512xi1>, vector<500x512xf32>
    %dot_general3A_79 = arith.constant dense<0.000000e+00> : vector<500x512xf32>
    %dot_general3A_80 = tpu.matmul %select_n3A_78, %get3A_58, %dot_general3A_79 {dimension_numbers = #tpu.dot_dimension_numbers<[1], [0], [0], [1], [0, 0, 1, 1], [], []>, transpose_lhs_hint = false} : vector<500x512xf32>, vector<512x512xf32>, vector<500x512xf32> -> vector<500x512xf32>
    %add3A_81 = vector.broadcast %get3A_61 : vector<1x512xf32> to vector<500x512xf32>
    %add3A_82 = arith.addf %dot_general3A_80, %add3A_81 : vector<500x512xf32>
    %ge3A_83 = arith.constant 0.000000e+00 : f32
    %ge3A_84 = vector.broadcast %ge3A_83 : f32 to vector<500x512xf32>
    %ge3A_85 = arith.cmpf oge, %add3A_82, %ge3A_84 : vector<500x512xf32>
    %mul3A_86 = arith.constant 0.00999999977 : f32
    %mul3A_87 = vector.broadcast %mul3A_86 : f32 to vector<500x512xf32>
    %mul3A_88 = arith.mulf %mul3A_87, %add3A_82 : vector<500x512xf32>
    %select_n3A_89 = arith.select %ge3A_85, %add3A_82, %mul3A_88 : vector<500x512xi1>, vector<500x512xf32>
    %dot_general3A_90 = arith.constant dense<0.000000e+00> : vector<500x256xf32>
    %dot_general3A_91 = tpu.matmul %select_n3A_89, %get3A_64, %dot_general3A_90 {dimension_numbers = #tpu.dot_dimension_numbers<[1], [0], [0], [1], [0, 0, 1, 1], [], []>, transpose_lhs_hint = false} : vector<500x512xf32>, vector<512x256xf32>, vector<500x256xf32> -> vector<500x256xf32>
    %add3A_92 = vector.broadcast %get3A_67 : vector<1x256xf32> to vector<500x256xf32>
    %add3A_93 = arith.addf %dot_general3A_91, %add3A_92 : vector<500x256xf32>
    %sub3A_94 = arith.subf %add3A_49, %add3A_93 : vector<500x256xf32>
    %add3A_95 = arith.constant 9.99999993E-9 : f32
    %add3A_96 = vector.broadcast %add3A_95 : f32 to vector<500x256xf32>
    %add3A_97 = arith.addf %sub3A_94, %add3A_96 : vector<500x256xf32>
    %div3A = arith.divf %add3A_49, %add3A_97 : vector<500x256xf32>
    %broadcast_in_dim3A = arith.constant 0.000000e+00 : f32
    %broadcast_in_dim3A_98 = vector.broadcast %broadcast_in_dim3A : f32 to vector<500x256xf32>
    %get3A_99 = arith.constant 0 : index
    %get3A_100 = arith.constant 0 : index
    %get3A_101 = arith.constant 0 : index
    %get3A_102 = vector.load %arg15[%get3A_99, %get3A_100, %get3A_101] : memref<8x1024x256xf32, #tpu.memory_space<vmem>>, vector<1x1024x256xf32>
    %get3A_103 = vector.shape_cast %get3A_102 : vector<1x1024x256xf32> to vector<1024x256xf32>
    %get3A_104 = arith.constant 0 : index
    %get3A_105 = arith.constant 0 : index
    %get3A_106 = vector.load %arg23[%get3A_104, %get3A_105] : memref<8x1024xf32, #tpu.memory_space<vmem>>, vector<1x1024xf32>
    %get3A_107 = vector.shape_cast %get3A_106 : vector<1x1024xf32> to vector<1024xf32>
    %broadcast_in_dim3A_108 = vector.shape_cast %get3A_107 : vector<1024xf32> to vector<1x1024xf32>
    %dot_general3A_109 = arith.constant dense<0.000000e+00> : vector<500x1024xf32>
    %dot_general3A_110 = tpu.matmul %div3A, %get3A_103, %dot_general3A_109 {dimension_numbers = #tpu.dot_dimension_numbers<[1], [1], [0], [0], [0, 0, 1, 0], [], []>, transpose_lhs_hint = false} : vector<500x256xf32>, vector<1024x256xf32>, vector<500x1024xf32> -> vector<500x1024xf32>
    %mul3A_111 = arith.mulf %div3A, %div3A : vector<500x256xf32>
    %reduce_sum3A = arith.constant dense<0.000000e+00> : vector<500xf32>
    %reduce_sum3A_112 = vector.multi_reduction <add>, %mul3A_111, %reduce_sum3A [1] : vector<500x256xf32> to vector<500xf32>
    %broadcast_in_dim3A_113 = vector.shape_cast %reduce_sum3A_112 : vector<500xf32> to vector<500x1xf32>
    %mul3A_114 = arith.constant 2.000000e+00 : f32
    %mul3A_115 = vector.broadcast %mul3A_114 : f32 to vector<500x1024xf32>
    %mul3A_116 = arith.mulf %mul3A_115, %dot_general3A_110 : vector<500x1024xf32>
    %sub3A_117 = vector.broadcast %broadcast_in_dim3A_113 : vector<500x1xf32> to vector<500x1024xf32>
    %sub3A_118 = arith.subf %sub3A_117, %mul3A_116 : vector<500x1024xf32>
    %add3A_119 = vector.broadcast %broadcast_in_dim3A_108 : vector<1x1024xf32> to vector<500x1024xf32>
    %add3A_120 = arith.addf %sub3A_118, %add3A_119 : vector<500x1024xf32>
    %reduce_min3A = arith.constant dense<0x7F800000> : vector<500xf32>
    %reduce_min3A_121 = vector.multi_reduction <minimumf>, %add3A_120, %reduce_min3A [1] : vector<500x1024xf32> to vector<500xf32>
    %broadcast_in_dim3A_122 = vector.shape_cast %reduce_min3A_121 : vector<500xf32> to vector<500x1xf32>
    %iota3A = tpu.iota {dimensions = array<i32: 1>} : vector<500x1024xi32>
    %eq3A_123 = vector.broadcast %broadcast_in_dim3A_122 : vector<500x1xf32> to vector<500x1024xf32>
    %eq3A_124 = arith.cmpf oeq, %add3A_120, %eq3A_123 : vector<500x1024xf32>
    %jit3A = arith.constant 1024 : i32
    %broadcast_in_dim3A_125 = vector.broadcast %jit3A : i32 to vector<500x1024xi32>
    %select_n3A_126 = arith.select %eq3A_124, %iota3A, %broadcast_in_dim3A_125 : vector<500x1024xi1>, vector<500x1024xi32>
    %reduce_min3A_127 = arith.constant dense<2147483647> : vector<500xi32>
    %reduce_min3A_128 = vector.multi_reduction <minsi>, %select_n3A_126, %reduce_min3A_127 [1] : vector<500x1024xi32> to vector<500xi32>
    %broadcast_in_dim3A_129 = vector.shape_cast %reduce_min3A_128 : vector<500xi32> to vector<500x1xi32>
    %eq3A_130 = vector.broadcast %broadcast_in_dim3A_129 : vector<500x1xi32> to vector<500x1024xi32>
    %eq3A_131 = arith.cmpi eq, %iota3A, %eq3A_130 : vector<500x1024xi32>
    %convert_element_type3A_132 = arith.extui %eq3A_131 : vector<500x1024xi1> to vector<500x1024xi32>
    %convert_element_type3A_133 = arith.sitofp %convert_element_type3A_132 : vector<500x1024xi32> to vector<500x1024xf32>
    %dot_general3A_134 = arith.constant dense<0.000000e+00> : vector<500x256xf32>
    %dot_general3A_135 = tpu.matmul %convert_element_type3A_133, %get3A_103, %dot_general3A_134 {dimension_numbers = #tpu.dot_dimension_numbers<[1], [0], [0], [1], [0, 0, 1, 1], [], []>, transpose_lhs_hint = false} : vector<500x1024xf32>, vector<1024x256xf32>, vector<500x256xf32> -> vector<500x256xf32>
    %add3A_136 = arith.addf %broadcast_in_dim3A_98, %dot_general3A_135 : vector<500x256xf32>
    %sub3A_137 = arith.subf %div3A, %dot_general3A_135 : vector<500x256xf32>
    %get3A_138 = arith.constant 1 : index
    %get3A_139 = arith.constant 0 : index
    %get3A_140 = arith.constant 0 : index
    %get3A_141 = vector.load %arg15[%get3A_138, %get3A_139, %get3A_140] : memref<8x1024x256xf32, #tpu.memory_space<vmem>>, vector<1x1024x256xf32>
    %get3A_142 = vector.shape_cast %get3A_141 : vector<1x1024x256xf32> to vector<1024x256xf32>
    %get3A_143 = arith.constant 1 : index
    %get3A_144 = arith.constant 0 : index
    %get3A_145 = vector.load %arg23[%get3A_143, %get3A_144] : memref<8x1024xf32, #tpu.memory_space<vmem>>, vector<1x1024xf32>
    %get3A_146 = vector.shape_cast %get3A_145 : vector<1x1024xf32> to vector<1024xf32>
    %broadcast_in_dim3A_147 = vector.shape_cast %get3A_146 : vector<1024xf32> to vector<1x1024xf32>
    %dot_general3A_148 = arith.constant dense<0.000000e+00> : vector<500x1024xf32>
    %dot_general3A_149 = tpu.matmul %sub3A_137, %get3A_142, %dot_general3A_148 {dimension_numbers = #tpu.dot_dimension_numbers<[1], [1], [0], [0], [0, 0, 1, 0], [], []>, transpose_lhs_hint = false} : vector<500x256xf32>, vector<1024x256xf32>, vector<500x1024xf32> -> vector<500x1024xf32>
    %mul3A_150 = arith.mulf %sub3A_137, %sub3A_137 : vector<500x256xf32>
    %reduce_sum3A_151 = arith.constant dense<0.000000e+00> : vector<500xf32>
    %reduce_sum3A_152 = vector.multi_reduction <add>, %mul3A_150, %reduce_sum3A_151 [1] : vector<500x256xf32> to vector<500xf32>
    %broadcast_in_dim3A_153 = vector.shape_cast %reduce_sum3A_152 : vector<500xf32> to vector<500x1xf32>
    %mul3A_154 = arith.constant 2.000000e+00 : f32
    %mul3A_155 = vector.broadcast %mul3A_154 : f32 to vector<500x1024xf32>
    %mul3A_156 = arith.mulf %mul3A_155, %dot_general3A_149 : vector<500x1024xf32>
    %sub3A_157 = vector.broadcast %broadcast_in_dim3A_153 : vector<500x1xf32> to vector<500x1024xf32>
    %sub3A_158 = arith.subf %sub3A_157, %mul3A_156 : vector<500x1024xf32>
    %add3A_159 = vector.broadcast %broadcast_in_dim3A_147 : vector<1x1024xf32> to vector<500x1024xf32>
    %add3A_160 = arith.addf %sub3A_158, %add3A_159 : vector<500x1024xf32>
    %reduce_min3A_161 = arith.constant dense<0x7F800000> : vector<500xf32>
    %reduce_min3A_162 = vector.multi_reduction <minimumf>, %add3A_160, %reduce_min3A_161 [1] : vector<500x1024xf32> to vector<500xf32>
    %broadcast_in_dim3A_163 = vector.shape_cast %reduce_min3A_162 : vector<500xf32> to vector<500x1xf32>
    %iota3A_164 = tpu.iota {dimensions = array<i32: 1>} : vector<500x1024xi32>
    %eq3A_165 = vector.broadcast %broadcast_in_dim3A_163 : vector<500x1xf32> to vector<500x1024xf32>
    %eq3A_166 = arith.cmpf oeq, %add3A_160, %eq3A_165 : vector<500x1024xf32>
    %jit3A_167 = arith.constant 1024 : i32
    %broadcast_in_dim3A_168 = vector.broadcast %jit3A_167 : i32 to vector<500x1024xi32>
    %select_n3A_169 = arith.select %eq3A_166, %iota3A_164, %broadcast_in_dim3A_168 : vector<500x1024xi1>, vector<500x1024xi32>
    %reduce_min3A_170 = arith.constant dense<2147483647> : vector<500xi32>
    %reduce_min3A_171 = vector.multi_reduction <minsi>, %select_n3A_169, %reduce_min3A_170 [1] : vector<500x1024xi32> to vector<500xi32>
    %broadcast_in_dim3A_172 = vector.shape_cast %reduce_min3A_171 : vector<500xi32> to vector<500x1xi32>
    %eq3A_173 = vector.broadcast %broadcast_in_dim3A_172 : vector<500x1xi32> to vector<500x1024xi32>
    %eq3A_174 = arith.cmpi eq, %iota3A_164, %eq3A_173 : vector<500x1024xi32>
    %convert_element_type3A_175 = arith.extui %eq3A_174 : vector<500x1024xi1> to vector<500x1024xi32>
    %convert_element_type3A_176 = arith.sitofp %convert_element_type3A_175 : vector<500x1024xi32> to vector<500x1024xf32>
    %dot_general3A_177 = arith.constant dense<0.000000e+00> : vector<500x256xf32>
    %dot_general3A_178 = tpu.matmul %convert_element_type3A_176, %get3A_142, %dot_general3A_177 {dimension_numbers = #tpu.dot_dimension_numbers<[1], [0], [0], [1], [0, 0, 1, 1], [], []>, transpose_lhs_hint = false} : vector<500x1024xf32>, vector<1024x256xf32>, vector<500x256xf32> -> vector<500x256xf32>
    %add3A_179 = arith.addf %add3A_136, %dot_general3A_178 : vector<500x256xf32>
    %sub3A_180 = arith.subf %sub3A_137, %dot_general3A_178 : vector<500x256xf32>
    %get3A_181 = arith.constant 2 : index
    %get3A_182 = arith.constant 0 : index
    %get3A_183 = arith.constant 0 : index
    %get3A_184 = vector.load %arg15[%get3A_181, %get3A_182, %get3A_183] : memref<8x1024x256xf32, #tpu.memory_space<vmem>>, vector<1x1024x256xf32>
    %get3A_185 = vector.shape_cast %get3A_184 : vector<1x1024x256xf32> to vector<1024x256xf32>
    %get3A_186 = arith.constant 2 : index
    %get3A_187 = arith.constant 0 : index
    %get3A_188 = vector.load %arg23[%get3A_186, %get3A_187] : memref<8x1024xf32, #tpu.memory_space<vmem>>, vector<1x1024xf32>
    %get3A_189 = vector.shape_cast %get3A_188 : vector<1x1024xf32> to vector<1024xf32>
    %broadcast_in_dim3A_190 = vector.shape_cast %get3A_189 : vector<1024xf32> to vector<1x1024xf32>
    %dot_general3A_191 = arith.constant dense<0.000000e+00> : vector<500x1024xf32>
    %dot_general3A_192 = tpu.matmul %sub3A_180, %get3A_185, %dot_general3A_191 {dimension_numbers = #tpu.dot_dimension_numbers<[1], [1], [0], [0], [0, 0, 1, 0], [], []>, transpose_lhs_hint = false} : vector<500x256xf32>, vector<1024x256xf32>, vector<500x1024xf32> -> vector<500x1024xf32>
    %mul3A_193 = arith.mulf %sub3A_180, %sub3A_180 : vector<500x256xf32>
    %reduce_sum3A_194 = arith.constant dense<0.000000e+00> : vector<500xf32>
    %reduce_sum3A_195 = vector.multi_reduction <add>, %mul3A_193, %reduce_sum3A_194 [1] : vector<500x256xf32> to vector<500xf32>
    %broadcast_in_dim3A_196 = vector.shape_cast %reduce_sum3A_195 : vector<500xf32> to vector<500x1xf32>
    %mul3A_197 = arith.constant 2.000000e+00 : f32
    %mul3A_198 = vector.broadcast %mul3A_197 : f32 to vector<500x1024xf32>
    %mul3A_199 = arith.mulf %mul3A_198, %dot_general3A_192 : vector<500x1024xf32>
    %sub3A_200 = vector.broadcast %broadcast_in_dim3A_196 : vector<500x1xf32> to vector<500x1024xf32>
    %sub3A_201 = arith.subf %sub3A_200, %mul3A_199 : vector<500x1024xf32>
    %add3A_202 = vector.broadcast %broadcast_in_dim3A_190 : vector<1x1024xf32> to vector<500x1024xf32>
    %add3A_203 = arith.addf %sub3A_201, %add3A_202 : vector<500x1024xf32>
    %reduce_min3A_204 = arith.constant dense<0x7F800000> : vector<500xf32>
    %reduce_min3A_205 = vector.multi_reduction <minimumf>, %add3A_203, %reduce_min3A_204 [1] : vector<500x1024xf32> to vector<500xf32>
    %broadcast_in_dim3A_206 = vector.shape_cast %reduce_min3A_205 : vector<500xf32> to vector<500x1xf32>
    %iota3A_207 = tpu.iota {dimensions = array<i32: 1>} : vector<500x1024xi32>
    %eq3A_208 = vector.broadcast %broadcast_in_dim3A_206 : vector<500x1xf32> to vector<500x1024xf32>
    %eq3A_209 = arith.cmpf oeq, %add3A_203, %eq3A_208 : vector<500x1024xf32>
    %jit3A_210 = arith.constant 1024 : i32
    %broadcast_in_dim3A_211 = vector.broadcast %jit3A_210 : i32 to vector<500x1024xi32>
    %select_n3A_212 = arith.select %eq3A_209, %iota3A_207, %broadcast_in_dim3A_211 : vector<500x1024xi1>, vector<500x1024xi32>
    %reduce_min3A_213 = arith.constant dense<2147483647> : vector<500xi32>
    %reduce_min3A_214 = vector.multi_reduction <minsi>, %select_n3A_212, %reduce_min3A_213 [1] : vector<500x1024xi32> to vector<500xi32>
    %broadcast_in_dim3A_215 = vector.shape_cast %reduce_min3A_214 : vector<500xi32> to vector<500x1xi32>
    %eq3A_216 = vector.broadcast %broadcast_in_dim3A_215 : vector<500x1xi32> to vector<500x1024xi32>
    %eq3A_217 = arith.cmpi eq, %iota3A_207, %eq3A_216 : vector<500x1024xi32>
    %convert_element_type3A_218 = arith.extui %eq3A_217 : vector<500x1024xi1> to vector<500x1024xi32>
    %convert_element_type3A_219 = arith.sitofp %convert_element_type3A_218 : vector<500x1024xi32> to vector<500x1024xf32>
    %dot_general3A_220 = arith.constant dense<0.000000e+00> : vector<500x256xf32>
    %dot_general3A_221 = tpu.matmul %convert_element_type3A_219, %get3A_185, %dot_general3A_220 {dimension_numbers = #tpu.dot_dimension_numbers<[1], [0], [0], [1], [0, 0, 1, 1], [], []>, transpose_lhs_hint = false} : vector<500x1024xf32>, vector<1024x256xf32>, vector<500x256xf32> -> vector<500x256xf32>
    %add3A_222 = arith.addf %add3A_179, %dot_general3A_221 : vector<500x256xf32>
    %sub3A_223 = arith.subf %sub3A_180, %dot_general3A_221 : vector<500x256xf32>
    %get3A_224 = arith.constant 3 : index
    %get3A_225 = arith.constant 0 : index
    %get3A_226 = arith.constant 0 : index
    %get3A_227 = vector.load %arg15[%get3A_224, %get3A_225, %get3A_226] : memref<8x1024x256xf32, #tpu.memory_space<vmem>>, vector<1x1024x256xf32>
    %get3A_228 = vector.shape_cast %get3A_227 : vector<1x1024x256xf32> to vector<1024x256xf32>
    %get3A_229 = arith.constant 3 : index
    %get3A_230 = arith.constant 0 : index
    %get3A_231 = vector.load %arg23[%get3A_229, %get3A_230] : memref<8x1024xf32, #tpu.memory_space<vmem>>, vector<1x1024xf32>
    %get3A_232 = vector.shape_cast %get3A_231 : vector<1x1024xf32> to vector<1024xf32>
    %broadcast_in_dim3A_233 = vector.shape_cast %get3A_232 : vector<1024xf32> to vector<1x1024xf32>
    %dot_general3A_234 = arith.constant dense<0.000000e+00> : vector<500x1024xf32>
    %dot_general3A_235 = tpu.matmul %sub3A_223, %get3A_228, %dot_general3A_234 {dimension_numbers = #tpu.dot_dimension_numbers<[1], [1], [0], [0], [0, 0, 1, 0], [], []>, transpose_lhs_hint = false} : vector<500x256xf32>, vector<1024x256xf32>, vector<500x1024xf32> -> vector<500x1024xf32>
    %mul3A_236 = arith.mulf %sub3A_223, %sub3A_223 : vector<500x256xf32>
    %reduce_sum3A_237 = arith.constant dense<0.000000e+00> : vector<500xf32>
    %reduce_sum3A_238 = vector.multi_reduction <add>, %mul3A_236, %reduce_sum3A_237 [1] : vector<500x256xf32> to vector<500xf32>
    %broadcast_in_dim3A_239 = vector.shape_cast %reduce_sum3A_238 : vector<500xf32> to vector<500x1xf32>
    %mul3A_240 = arith.constant 2.000000e+00 : f32
    %mul3A_241 = vector.broadcast %mul3A_240 : f32 to vector<500x1024xf32>
    %mul3A_242 = arith.mulf %mul3A_241, %dot_general3A_235 : vector<500x1024xf32>
    %sub3A_243 = vector.broadcast %broadcast_in_dim3A_239 : vector<500x1xf32> to vector<500x1024xf32>
    %sub3A_244 = arith.subf %sub3A_243, %mul3A_242 : vector<500x1024xf32>
    %add3A_245 = vector.broadcast %broadcast_in_dim3A_233 : vector<1x1024xf32> to vector<500x1024xf32>
    %add3A_246 = arith.addf %sub3A_244, %add3A_245 : vector<500x1024xf32>
    %reduce_min3A_247 = arith.constant dense<0x7F800000> : vector<500xf32>
    %reduce_min3A_248 = vector.multi_reduction <minimumf>, %add3A_246, %reduce_min3A_247 [1] : vector<500x1024xf32> to vector<500xf32>
    %broadcast_in_dim3A_249 = vector.shape_cast %reduce_min3A_248 : vector<500xf32> to vector<500x1xf32>
    %iota3A_250 = tpu.iota {dimensions = array<i32: 1>} : vector<500x1024xi32>
    %eq3A_251 = vector.broadcast %broadcast_in_dim3A_249 : vector<500x1xf32> to vector<500x1024xf32>
    %eq3A_252 = arith.cmpf oeq, %add3A_246, %eq3A_251 : vector<500x1024xf32>
    %jit3A_253 = arith.constant 1024 : i32
    %broadcast_in_dim3A_254 = vector.broadcast %jit3A_253 : i32 to vector<500x1024xi32>
    %select_n3A_255 = arith.select %eq3A_252, %iota3A_250, %broadcast_in_dim3A_254 : vector<500x1024xi1>, vector<500x1024xi32>
    %reduce_min3A_256 = arith.constant dense<2147483647> : vector<500xi32>
    %reduce_min3A_257 = vector.multi_reduction <minsi>, %select_n3A_255, %reduce_min3A_256 [1] : vector<500x1024xi32> to vector<500xi32>
    %broadcast_in_dim3A_258 = vector.shape_cast %reduce_min3A_257 : vector<500xi32> to vector<500x1xi32>
    %eq3A_259 = vector.broadcast %broadcast_in_dim3A_258 : vector<500x1xi32> to vector<500x1024xi32>
    %eq3A_260 = arith.cmpi eq, %iota3A_250, %eq3A_259 : vector<500x1024xi32>
    %convert_element_type3A_261 = arith.extui %eq3A_260 : vector<500x1024xi1> to vector<500x1024xi32>
    %convert_element_type3A_262 = arith.sitofp %convert_element_type3A_261 : vector<500x1024xi32> to vector<500x1024xf32>
    %dot_general3A_263 = arith.constant dense<0.000000e+00> : vector<500x256xf32>
    %dot_general3A_264 = tpu.matmul %convert_element_type3A_262, %get3A_228, %dot_general3A_263 {dimension_numbers = #tpu.dot_dimension_numbers<[1], [0], [0], [1], [0, 0, 1, 1], [], []>, transpose_lhs_hint = false} : vector<500x1024xf32>, vector<1024x256xf32>, vector<500x256xf32> -> vector<500x256xf32>
    %add3A_265 = arith.addf %add3A_222, %dot_general3A_264 : vector<500x256xf32>
    %sub3A_266 = arith.subf %sub3A_223, %dot_general3A_264 : vector<500x256xf32>
    %get3A_267 = arith.constant 4 : index
    %get3A_268 = arith.constant 0 : index
    %get3A_269 = arith.constant 0 : index
    %get3A_270 = vector.load %arg15[%get3A_267, %get3A_268, %get3A_269] : memref<8x1024x256xf32, #tpu.memory_space<vmem>>, vector<1x1024x256xf32>
    %get3A_271 = vector.shape_cast %get3A_270 : vector<1x1024x256xf32> to vector<1024x256xf32>
    %get3A_272 = arith.constant 4 : index
    %get3A_273 = arith.constant 0 : index
    %get3A_274 = vector.load %arg23[%get3A_272, %get3A_273] : memref<8x1024xf32, #tpu.memory_space<vmem>>, vector<1x1024xf32>
    %get3A_275 = vector.shape_cast %get3A_274 : vector<1x1024xf32> to vector<1024xf32>
    %broadcast_in_dim3A_276 = vector.shape_cast %get3A_275 : vector<1024xf32> to vector<1x1024xf32>
    %dot_general3A_277 = arith.constant dense<0.000000e+00> : vector<500x1024xf32>
    %dot_general3A_278 = tpu.matmul %sub3A_266, %get3A_271, %dot_general3A_277 {dimension_numbers = #tpu.dot_dimension_numbers<[1], [1], [0], [0], [0, 0, 1, 0], [], []>, transpose_lhs_hint = false} : vector<500x256xf32>, vector<1024x256xf32>, vector<500x1024xf32> -> vector<500x1024xf32>
    %mul3A_279 = arith.mulf %sub3A_266, %sub3A_266 : vector<500x256xf32>
    %reduce_sum3A_280 = arith.constant dense<0.000000e+00> : vector<500xf32>
    %reduce_sum3A_281 = vector.multi_reduction <add>, %mul3A_279, %reduce_sum3A_280 [1] : vector<500x256xf32> to vector<500xf32>
    %broadcast_in_dim3A_282 = vector.shape_cast %reduce_sum3A_281 : vector<500xf32> to vector<500x1xf32>
    %mul3A_283 = arith.constant 2.000000e+00 : f32
    %mul3A_284 = vector.broadcast %mul3A_283 : f32 to vector<500x1024xf32>
    %mul3A_285 = arith.mulf %mul3A_284, %dot_general3A_278 : vector<500x1024xf32>
    %sub3A_286 = vector.broadcast %broadcast_in_dim3A_282 : vector<500x1xf32> to vector<500x1024xf32>
    %sub3A_287 = arith.subf %sub3A_286, %mul3A_285 : vector<500x1024xf32>
    %add3A_288 = vector.broadcast %broadcast_in_dim3A_276 : vector<1x1024xf32> to vector<500x1024xf32>
    %add3A_289 = arith.addf %sub3A_287, %add3A_288 : vector<500x1024xf32>
    %reduce_min3A_290 = arith.constant dense<0x7F800000> : vector<500xf32>
    %reduce_min3A_291 = vector.multi_reduction <minimumf>, %add3A_289, %reduce_min3A_290 [1] : vector<500x1024xf32> to vector<500xf32>
    %broadcast_in_dim3A_292 = vector.shape_cast %reduce_min3A_291 : vector<500xf32> to vector<500x1xf32>
    %iota3A_293 = tpu.iota {dimensions = array<i32: 1>} : vector<500x1024xi32>
    %eq3A_294 = vector.broadcast %broadcast_in_dim3A_292 : vector<500x1xf32> to vector<500x1024xf32>
    %eq3A_295 = arith.cmpf oeq, %add3A_289, %eq3A_294 : vector<500x1024xf32>
    %jit3A_296 = arith.constant 1024 : i32
    %broadcast_in_dim3A_297 = vector.broadcast %jit3A_296 : i32 to vector<500x1024xi32>
    %select_n3A_298 = arith.select %eq3A_295, %iota3A_293, %broadcast_in_dim3A_297 : vector<500x1024xi1>, vector<500x1024xi32>
    %reduce_min3A_299 = arith.constant dense<2147483647> : vector<500xi32>
    %reduce_min3A_300 = vector.multi_reduction <minsi>, %select_n3A_298, %reduce_min3A_299 [1] : vector<500x1024xi32> to vector<500xi32>
    %broadcast_in_dim3A_301 = vector.shape_cast %reduce_min3A_300 : vector<500xi32> to vector<500x1xi32>
    %eq3A_302 = vector.broadcast %broadcast_in_dim3A_301 : vector<500x1xi32> to vector<500x1024xi32>
    %eq3A_303 = arith.cmpi eq, %iota3A_293, %eq3A_302 : vector<500x1024xi32>
    %convert_element_type3A_304 = arith.extui %eq3A_303 : vector<500x1024xi1> to vector<500x1024xi32>
    %convert_element_type3A_305 = arith.sitofp %convert_element_type3A_304 : vector<500x1024xi32> to vector<500x1024xf32>
    %dot_general3A_306 = arith.constant dense<0.000000e+00> : vector<500x256xf32>
    %dot_general3A_307 = tpu.matmul %convert_element_type3A_305, %get3A_271, %dot_general3A_306 {dimension_numbers = #tpu.dot_dimension_numbers<[1], [0], [0], [1], [0, 0, 1, 1], [], []>, transpose_lhs_hint = false} : vector<500x1024xf32>, vector<1024x256xf32>, vector<500x256xf32> -> vector<500x256xf32>
    %add3A_308 = arith.addf %add3A_265, %dot_general3A_307 : vector<500x256xf32>
    %sub3A_309 = arith.subf %sub3A_266, %dot_general3A_307 : vector<500x256xf32>
    %get3A_310 = arith.constant 5 : index
    %get3A_311 = arith.constant 0 : index
    %get3A_312 = arith.constant 0 : index
    %get3A_313 = vector.load %arg15[%get3A_310, %get3A_311, %get3A_312] : memref<8x1024x256xf32, #tpu.memory_space<vmem>>, vector<1x1024x256xf32>
    %get3A_314 = vector.shape_cast %get3A_313 : vector<1x1024x256xf32> to vector<1024x256xf32>
    %get3A_315 = arith.constant 5 : index
    %get3A_316 = arith.constant 0 : index
    %get3A_317 = vector.load %arg23[%get3A_315, %get3A_316] : memref<8x1024xf32, #tpu.memory_space<vmem>>, vector<1x1024xf32>
    %get3A_318 = vector.shape_cast %get3A_317 : vector<1x1024xf32> to vector<1024xf32>
    %broadcast_in_dim3A_319 = vector.shape_cast %get3A_318 : vector<1024xf32> to vector<1x1024xf32>
    %dot_general3A_320 = arith.constant dense<0.000000e+00> : vector<500x1024xf32>
    %dot_general3A_321 = tpu.matmul %sub3A_309, %get3A_314, %dot_general3A_320 {dimension_numbers = #tpu.dot_dimension_numbers<[1], [1], [0], [0], [0, 0, 1, 0], [], []>, transpose_lhs_hint = false} : vector<500x256xf32>, vector<1024x256xf32>, vector<500x1024xf32> -> vector<500x1024xf32>
    %mul3A_322 = arith.mulf %sub3A_309, %sub3A_309 : vector<500x256xf32>
    %reduce_sum3A_323 = arith.constant dense<0.000000e+00> : vector<500xf32>
    %reduce_sum3A_324 = vector.multi_reduction <add>, %mul3A_322, %reduce_sum3A_323 [1] : vector<500x256xf32> to vector<500xf32>
    %broadcast_in_dim3A_325 = vector.shape_cast %reduce_sum3A_324 : vector<500xf32> to vector<500x1xf32>
    %mul3A_326 = arith.constant 2.000000e+00 : f32
    %mul3A_327 = vector.broadcast %mul3A_326 : f32 to vector<500x1024xf32>
    %mul3A_328 = arith.mulf %mul3A_327, %dot_general3A_321 : vector<500x1024xf32>
    %sub3A_329 = vector.broadcast %broadcast_in_dim3A_325 : vector<500x1xf32> to vector<500x1024xf32>
    %sub3A_330 = arith.subf %sub3A_329, %mul3A_328 : vector<500x1024xf32>
    %add3A_331 = vector.broadcast %broadcast_in_dim3A_319 : vector<1x1024xf32> to vector<500x1024xf32>
    %add3A_332 = arith.addf %sub3A_330, %add3A_331 : vector<500x1024xf32>
    %reduce_min3A_333 = arith.constant dense<0x7F800000> : vector<500xf32>
    %reduce_min3A_334 = vector.multi_reduction <minimumf>, %add3A_332, %reduce_min3A_333 [1] : vector<500x1024xf32> to vector<500xf32>
    %broadcast_in_dim3A_335 = vector.shape_cast %reduce_min3A_334 : vector<500xf32> to vector<500x1xf32>
    %iota3A_336 = tpu.iota {dimensions = array<i32: 1>} : vector<500x1024xi32>
    %eq3A_337 = vector.broadcast %broadcast_in_dim3A_335 : vector<500x1xf32> to vector<500x1024xf32>
    %eq3A_338 = arith.cmpf oeq, %add3A_332, %eq3A_337 : vector<500x1024xf32>
    %jit3A_339 = arith.constant 1024 : i32
    %broadcast_in_dim3A_340 = vector.broadcast %jit3A_339 : i32 to vector<500x1024xi32>
    %select_n3A_341 = arith.select %eq3A_338, %iota3A_336, %broadcast_in_dim3A_340 : vector<500x1024xi1>, vector<500x1024xi32>
    %reduce_min3A_342 = arith.constant dense<2147483647> : vector<500xi32>
    %reduce_min3A_343 = vector.multi_reduction <minsi>, %select_n3A_341, %reduce_min3A_342 [1] : vector<500x1024xi32> to vector<500xi32>
    %broadcast_in_dim3A_344 = vector.shape_cast %reduce_min3A_343 : vector<500xi32> to vector<500x1xi32>
    %eq3A_345 = vector.broadcast %broadcast_in_dim3A_344 : vector<500x1xi32> to vector<500x1024xi32>
    %eq3A_346 = arith.cmpi eq, %iota3A_336, %eq3A_345 : vector<500x1024xi32>
    %convert_element_type3A_347 = arith.extui %eq3A_346 : vector<500x1024xi1> to vector<500x1024xi32>
    %convert_element_type3A_348 = arith.sitofp %convert_element_type3A_347 : vector<500x1024xi32> to vector<500x1024xf32>
    %dot_general3A_349 = arith.constant dense<0.000000e+00> : vector<500x256xf32>
    %dot_general3A_350 = tpu.matmul %convert_element_type3A_348, %get3A_314, %dot_general3A_349 {dimension_numbers = #tpu.dot_dimension_numbers<[1], [0], [0], [1], [0, 0, 1, 1], [], []>, transpose_lhs_hint = false} : vector<500x1024xf32>, vector<1024x256xf32>, vector<500x256xf32> -> vector<500x256xf32>
    %add3A_351 = arith.addf %add3A_308, %dot_general3A_350 : vector<500x256xf32>
    %sub3A_352 = arith.subf %sub3A_309, %dot_general3A_350 : vector<500x256xf32>
    %get3A_353 = arith.constant 6 : index
    %get3A_354 = arith.constant 0 : index
    %get3A_355 = arith.constant 0 : index
    %get3A_356 = vector.load %arg15[%get3A_353, %get3A_354, %get3A_355] : memref<8x1024x256xf32, #tpu.memory_space<vmem>>, vector<1x1024x256xf32>
    %get3A_357 = vector.shape_cast %get3A_356 : vector<1x1024x256xf32> to vector<1024x256xf32>
    %get3A_358 = arith.constant 6 : index
    %get3A_359 = arith.constant 0 : index
    %get3A_360 = vector.load %arg23[%get3A_358, %get3A_359] : memref<8x1024xf32, #tpu.memory_space<vmem>>, vector<1x1024xf32>
    %get3A_361 = vector.shape_cast %get3A_360 : vector<1x1024xf32> to vector<1024xf32>
    %broadcast_in_dim3A_362 = vector.shape_cast %get3A_361 : vector<1024xf32> to vector<1x1024xf32>
    %dot_general3A_363 = arith.constant dense<0.000000e+00> : vector<500x1024xf32>
    %dot_general3A_364 = tpu.matmul %sub3A_352, %get3A_357, %dot_general3A_363 {dimension_numbers = #tpu.dot_dimension_numbers<[1], [1], [0], [0], [0, 0, 1, 0], [], []>, transpose_lhs_hint = false} : vector<500x256xf32>, vector<1024x256xf32>, vector<500x1024xf32> -> vector<500x1024xf32>
    %mul3A_365 = arith.mulf %sub3A_352, %sub3A_352 : vector<500x256xf32>
    %reduce_sum3A_366 = arith.constant dense<0.000000e+00> : vector<500xf32>
    %reduce_sum3A_367 = vector.multi_reduction <add>, %mul3A_365, %reduce_sum3A_366 [1] : vector<500x256xf32> to vector<500xf32>
    %broadcast_in_dim3A_368 = vector.shape_cast %reduce_sum3A_367 : vector<500xf32> to vector<500x1xf32>
    %mul3A_369 = arith.constant 2.000000e+00 : f32
    %mul3A_370 = vector.broadcast %mul3A_369 : f32 to vector<500x1024xf32>
    %mul3A_371 = arith.mulf %mul3A_370, %dot_general3A_364 : vector<500x1024xf32>
    %sub3A_372 = vector.broadcast %broadcast_in_dim3A_368 : vector<500x1xf32> to vector<500x1024xf32>
    %sub3A_373 = arith.subf %sub3A_372, %mul3A_371 : vector<500x1024xf32>
    %add3A_374 = vector.broadcast %broadcast_in_dim3A_362 : vector<1x1024xf32> to vector<500x1024xf32>
    %add3A_375 = arith.addf %sub3A_373, %add3A_374 : vector<500x1024xf32>
    %reduce_min3A_376 = arith.constant dense<0x7F800000> : vector<500xf32>
    %reduce_min3A_377 = vector.multi_reduction <minimumf>, %add3A_375, %reduce_min3A_376 [1] : vector<500x1024xf32> to vector<500xf32>
    %broadcast_in_dim3A_378 = vector.shape_cast %reduce_min3A_377 : vector<500xf32> to vector<500x1xf32>
    %iota3A_379 = tpu.iota {dimensions = array<i32: 1>} : vector<500x1024xi32>
    %eq3A_380 = vector.broadcast %broadcast_in_dim3A_378 : vector<500x1xf32> to vector<500x1024xf32>
    %eq3A_381 = arith.cmpf oeq, %add3A_375, %eq3A_380 : vector<500x1024xf32>
    %jit3A_382 = arith.constant 1024 : i32
    %broadcast_in_dim3A_383 = vector.broadcast %jit3A_382 : i32 to vector<500x1024xi32>
    %select_n3A_384 = arith.select %eq3A_381, %iota3A_379, %broadcast_in_dim3A_383 : vector<500x1024xi1>, vector<500x1024xi32>
    %reduce_min3A_385 = arith.constant dense<2147483647> : vector<500xi32>
    %reduce_min3A_386 = vector.multi_reduction <minsi>, %select_n3A_384, %reduce_min3A_385 [1] : vector<500x1024xi32> to vector<500xi32>
    %broadcast_in_dim3A_387 = vector.shape_cast %reduce_min3A_386 : vector<500xi32> to vector<500x1xi32>
    %eq3A_388 = vector.broadcast %broadcast_in_dim3A_387 : vector<500x1xi32> to vector<500x1024xi32>
    %eq3A_389 = arith.cmpi eq, %iota3A_379, %eq3A_388 : vector<500x1024xi32>
    %convert_element_type3A_390 = arith.extui %eq3A_389 : vector<500x1024xi1> to vector<500x1024xi32>
    %convert_element_type3A_391 = arith.sitofp %convert_element_type3A_390 : vector<500x1024xi32> to vector<500x1024xf32>
    %dot_general3A_392 = arith.constant dense<0.000000e+00> : vector<500x256xf32>
    %dot_general3A_393 = tpu.matmul %convert_element_type3A_391, %get3A_357, %dot_general3A_392 {dimension_numbers = #tpu.dot_dimension_numbers<[1], [0], [0], [1], [0, 0, 1, 1], [], []>, transpose_lhs_hint = false} : vector<500x1024xf32>, vector<1024x256xf32>, vector<500x256xf32> -> vector<500x256xf32>
    %add3A_394 = arith.addf %add3A_351, %dot_general3A_393 : vector<500x256xf32>
    %sub3A_395 = arith.subf %sub3A_352, %dot_general3A_393 : vector<500x256xf32>
    %get3A_396 = arith.constant 7 : index
    %get3A_397 = arith.constant 0 : index
    %get3A_398 = arith.constant 0 : index
    %get3A_399 = vector.load %arg15[%get3A_396, %get3A_397, %get3A_398] : memref<8x1024x256xf32, #tpu.memory_space<vmem>>, vector<1x1024x256xf32>
    %get3A_400 = vector.shape_cast %get3A_399 : vector<1x1024x256xf32> to vector<1024x256xf32>
    %get3A_401 = arith.constant 7 : index
    %get3A_402 = arith.constant 0 : index
    %get3A_403 = vector.load %arg23[%get3A_401, %get3A_402] : memref<8x1024xf32, #tpu.memory_space<vmem>>, vector<1x1024xf32>
    %get3A_404 = vector.shape_cast %get3A_403 : vector<1x1024xf32> to vector<1024xf32>
    %broadcast_in_dim3A_405 = vector.shape_cast %get3A_404 : vector<1024xf32> to vector<1x1024xf32>
    %dot_general3A_406 = arith.constant dense<0.000000e+00> : vector<500x1024xf32>
    %dot_general3A_407 = tpu.matmul %sub3A_395, %get3A_400, %dot_general3A_406 {dimension_numbers = #tpu.dot_dimension_numbers<[1], [1], [0], [0], [0, 0, 1, 0], [], []>, transpose_lhs_hint = false} : vector<500x256xf32>, vector<1024x256xf32>, vector<500x1024xf32> -> vector<500x1024xf32>
    %mul3A_408 = arith.mulf %sub3A_395, %sub3A_395 : vector<500x256xf32>
    %reduce_sum3A_409 = arith.constant dense<0.000000e+00> : vector<500xf32>
    %reduce_sum3A_410 = vector.multi_reduction <add>, %mul3A_408, %reduce_sum3A_409 [1] : vector<500x256xf32> to vector<500xf32>
    %broadcast_in_dim3A_411 = vector.shape_cast %reduce_sum3A_410 : vector<500xf32> to vector<500x1xf32>
    %mul3A_412 = arith.constant 2.000000e+00 : f32
    %mul3A_413 = vector.broadcast %mul3A_412 : f32 to vector<500x1024xf32>
    %mul3A_414 = arith.mulf %mul3A_413, %dot_general3A_407 : vector<500x1024xf32>
    %sub3A_415 = vector.broadcast %broadcast_in_dim3A_411 : vector<500x1xf32> to vector<500x1024xf32>
    %sub3A_416 = arith.subf %sub3A_415, %mul3A_414 : vector<500x1024xf32>
    %add3A_417 = vector.broadcast %broadcast_in_dim3A_405 : vector<1x1024xf32> to vector<500x1024xf32>
    %add3A_418 = arith.addf %sub3A_416, %add3A_417 : vector<500x1024xf32>
    %reduce_min3A_419 = arith.constant dense<0x7F800000> : vector<500xf32>
    %reduce_min3A_420 = vector.multi_reduction <minimumf>, %add3A_418, %reduce_min3A_419 [1] : vector<500x1024xf32> to vector<500xf32>
    %broadcast_in_dim3A_421 = vector.shape_cast %reduce_min3A_420 : vector<500xf32> to vector<500x1xf32>
    %iota3A_422 = tpu.iota {dimensions = array<i32: 1>} : vector<500x1024xi32>
    %eq3A_423 = vector.broadcast %broadcast_in_dim3A_421 : vector<500x1xf32> to vector<500x1024xf32>
    %eq3A_424 = arith.cmpf oeq, %add3A_418, %eq3A_423 : vector<500x1024xf32>
    %jit3A_425 = arith.constant 1024 : i32
    %broadcast_in_dim3A_426 = vector.broadcast %jit3A_425 : i32 to vector<500x1024xi32>
    %select_n3A_427 = arith.select %eq3A_424, %iota3A_422, %broadcast_in_dim3A_426 : vector<500x1024xi1>, vector<500x1024xi32>
    %reduce_min3A_428 = arith.constant dense<2147483647> : vector<500xi32>
    %reduce_min3A_429 = vector.multi_reduction <minsi>, %select_n3A_427, %reduce_min3A_428 [1] : vector<500x1024xi32> to vector<500xi32>
    %broadcast_in_dim3A_430 = vector.shape_cast %reduce_min3A_429 : vector<500xi32> to vector<500x1xi32>
    %eq3A_431 = vector.broadcast %broadcast_in_dim3A_430 : vector<500x1xi32> to vector<500x1024xi32>
    %eq3A_432 = arith.cmpi eq, %iota3A_422, %eq3A_431 : vector<500x1024xi32>
    %convert_element_type3A_433 = arith.extui %eq3A_432 : vector<500x1024xi1> to vector<500x1024xi32>
    %convert_element_type3A_434 = arith.sitofp %convert_element_type3A_433 : vector<500x1024xi32> to vector<500x1024xf32>
    %dot_general3A_435 = arith.constant dense<0.000000e+00> : vector<500x256xf32>
    %dot_general3A_436 = tpu.matmul %convert_element_type3A_434, %get3A_400, %dot_general3A_435 {dimension_numbers = #tpu.dot_dimension_numbers<[1], [0], [0], [1], [0, 0, 1, 1], [], []>, transpose_lhs_hint = false} : vector<500x1024xf32>, vector<1024x256xf32>, vector<500x256xf32> -> vector<500x256xf32>
    %add3A_437 = arith.addf %add3A_394, %dot_general3A_436 : vector<500x256xf32>
    %sub3A_438 = arith.subf %add3A_437, %div3A : vector<500x256xf32>
    %add3A_439 = arith.addf %div3A, %sub3A_438 : vector<500x256xf32>
    %mul3A_440 = arith.mulf %add3A_439, %sub3A_94 : vector<500x256xf32>
    %get3A_441 = arith.constant 0 : index
    %get3A_442 = arith.constant 0 : index
    %get3A_443 = vector.load %arg16[%get3A_441, %get3A_442] : memref<256x512xf32, #tpu.memory_space<vmem>>, vector<256x512xf32>
    %get3A_444 = arith.constant 0 : index
    %get3A_445 = arith.constant 0 : index
    %get3A_446 = vector.load %arg17[%get3A_444, %get3A_445] : memref<1x512xf32, #tpu.memory_space<vmem>>, vector<1x512xf32>
    %get3A_447 = arith.constant 0 : index
    %get3A_448 = arith.constant 0 : index
    %get3A_449 = vector.load %arg18[%get3A_447, %get3A_448] : memref<512x512xf32, #tpu.memory_space<vmem>>, vector<512x512xf32>
    %get3A_450 = arith.constant 0 : index
    %get3A_451 = arith.constant 0 : index
    %get3A_452 = vector.load %arg19[%get3A_450, %get3A_451] : memref<1x512xf32, #tpu.memory_space<vmem>>, vector<1x512xf32>
    %get3A_453 = arith.constant 0 : index
    %get3A_454 = arith.constant 0 : index
    %get3A_455 = vector.load %arg20[%get3A_453, %get3A_454] : memref<512x1024xf32, #tpu.memory_space<vmem>>, vector<512x1024xf32>
    %get3A_456 = arith.constant 0 : index
    %get3A_457 = arith.constant 0 : index
    %get3A_458 = vector.load %arg21[%get3A_456, %get3A_457] : memref<1x1024xf32, #tpu.memory_space<vmem>>, vector<1x1024xf32>
    %dot_general3A_459 = arith.constant dense<0.000000e+00> : vector<500x512xf32>
    %dot_general3A_460 = tpu.matmul %mul3A_440, %get3A_443, %dot_general3A_459 {dimension_numbers = #tpu.dot_dimension_numbers<[1], [0], [0], [1], [0, 0, 1, 1], [], []>, transpose_lhs_hint = false} : vector<500x256xf32>, vector<256x512xf32>, vector<500x512xf32> -> vector<500x512xf32>
    %add3A_461 = vector.broadcast %get3A_446 : vector<1x512xf32> to vector<500x512xf32>
    %add3A_462 = arith.addf %dot_general3A_460, %add3A_461 : vector<500x512xf32>
    %ge3A_463 = arith.constant 0.000000e+00 : f32
    %ge3A_464 = vector.broadcast %ge3A_463 : f32 to vector<500x512xf32>
    %ge3A_465 = arith.cmpf oge, %add3A_462, %ge3A_464 : vector<500x512xf32>
    %mul3A_466 = arith.constant 0.00999999977 : f32
    %mul3A_467 = vector.broadcast %mul3A_466 : f32 to vector<500x512xf32>
    %mul3A_468 = arith.mulf %mul3A_467, %add3A_462 : vector<500x512xf32>
    %select_n3A_469 = arith.select %ge3A_465, %add3A_462, %mul3A_468 : vector<500x512xi1>, vector<500x512xf32>
    %dot_general3A_470 = arith.constant dense<0.000000e+00> : vector<500x512xf32>
    %dot_general3A_471 = tpu.matmul %select_n3A_469, %get3A_449, %dot_general3A_470 {dimension_numbers = #tpu.dot_dimension_numbers<[1], [0], [0], [1], [0, 0, 1, 1], [], []>, transpose_lhs_hint = false} : vector<500x512xf32>, vector<512x512xf32>, vector<500x512xf32> -> vector<500x512xf32>
    %add3A_472 = vector.broadcast %get3A_452 : vector<1x512xf32> to vector<500x512xf32>
    %add3A_473 = arith.addf %dot_general3A_471, %add3A_472 : vector<500x512xf32>
    %ge3A_474 = arith.constant 0.000000e+00 : f32
    %ge3A_475 = vector.broadcast %ge3A_474 : f32 to vector<500x512xf32>
    %ge3A_476 = arith.cmpf oge, %add3A_473, %ge3A_475 : vector<500x512xf32>
    %mul3A_477 = arith.constant 0.00999999977 : f32
    %mul3A_478 = vector.broadcast %mul3A_477 : f32 to vector<500x512xf32>
    %mul3A_479 = arith.mulf %mul3A_478, %add3A_473 : vector<500x512xf32>
    %select_n3A_480 = arith.select %ge3A_476, %add3A_473, %mul3A_479 : vector<500x512xi1>, vector<500x512xf32>
    %dot_general3A_481 = arith.constant dense<0.000000e+00> : vector<500x1024xf32>
    %dot_general3A_482 = tpu.matmul %select_n3A_480, %get3A_455, %dot_general3A_481 {dimension_numbers = #tpu.dot_dimension_numbers<[1], [0], [0], [1], [0, 0, 1, 1], [], []>, transpose_lhs_hint = false} : vector<500x512xf32>, vector<512x1024xf32>, vector<500x1024xf32> -> vector<500x1024xf32>
    %add3A_483 = vector.broadcast %get3A_458 : vector<1x1024xf32> to vector<500x1024xf32>
    %add3A_484 = arith.addf %dot_general3A_482, %add3A_483 : vector<500x1024xf32>
    %add3A_485 = arith.addf %slice3A, %add3A_484 : vector<500x1024xf32>
    %transpose3A_486 = tpu.transpose %add3A_485, [1, 0] : vector<500x1024xf32> -> vector<1024x500xf32>
    %swap3A = arith.constant 0 : index
    %swap3A_487 = arith.constant 0 : index
    %swap3A_488 = arith.constant 0 : index
    %swap3A_489 = vector.load %arg22[%swap3A, %swap3A_487, %swap3A_488] : memref<1x1024x500xf32, #tpu.memory_space<vmem>>, vector<1x1024x500xf32>
    %swap3A_490 = vector.shape_cast %swap3A_489 : vector<1x1024x500xf32> to vector<1024x500xf32>
    %swap3A_491 = vector.shape_cast %transpose3A_486 : vector<1024x500xf32> to vector<1x1024x500xf32>
    tpu.vector_store %arg22[%swap3A, %swap3A_487, %swap3A_488], %swap3A_491 {strides = array<i32>} : memref<1x1024x500xf32, #tpu.memory_space<vmem>>, vector<1x1024x500xf32>,
    return
  }
  func.func @transform_0(%arg0: i32) -> (i32, i32, i32) {
    %c0_i32 = arith.constant 0 : i32
    %c0_i32_0 = arith.constant 0 : i32
    %c0_i32_1 = arith.constant 0 : i32
    return %arg0, %c0_i32, %c0_i32_0 : i32, i32, i32
  }
  func.func @transform_1(%arg0: i32) -> (i32, i32, i32) {
    %c0_i32 = arith.constant 0 : i32
    %c0_i32_0 = arith.constant 0 : i32
    %c0_i32_1 = arith.constant 0 : i32
    return %arg0, %c0_i32, %c0_i32_0 : i32, i32, i32
  }
  func.func @transform_2(%arg0: i32) -> (i32, i32) {
    %c0_i32 = arith.constant 0 : i32
    %c0_i32_0 = arith.constant 0 : i32
    %c0_i32_1 = arith.constant 0 : i32
    return %c0_i32, %c0_i32_0 : i32, i32
  }
  func.func @transform_3(%arg0: i32) -> (i32, i32) {
    %c0_i32 = arith.constant 0 : i32
    %c0_i32_0 = arith.constant 0 : i32
    %c0_i32_1 = arith.constant 0 : i32
    return %c0_i32, %c0_i32_0 : i32, i32
  }
  func.func @transform_4(%arg0: i32) -> (i32, i32) {
    %c0_i32 = arith.constant 0 : i32
    %c0_i32_0 = arith.constant 0 : i32
    %c0_i32_1 = arith.constant 0 : i32
    return %c0_i32, %c0_i32_0 : i32, i32
  }
  func.func @transform_5(%arg0: i32) -> (i32, i32) {
    %c0_i32 = arith.constant 0 : i32
    %c0_i32_0 = arith.constant 0 : i32
    %c0_i32_1 = arith.constant 0 : i32
    return %c0_i32, %c0_i32_0 : i32, i32
  }
  func.func @transform_6(%arg0: i32) -> (i32, i32) {
    %c0_i32 = arith.constant 0 : i32
    %c0_i32_0 = arith.constant 0 : i32
    %c0_i32_1 = arith.constant 0 : i32
    return %c0_i32, %c0_i32_0 : i32, i32
  }
  func.func @transform_7(%arg0: i32) -> (i32, i32) {
    %c0_i32 = arith.constant 0 : i32
    %c0_i32_0 = arith.constant 0 : i32
    %c0_i32_1 = arith.constant 0 : i32
    return %c0_i32, %c0_i32_0 : i32, i32
  }
  func.func @transform_8(%arg0: i32) -> (i32, i32) {
    %c0_i32 = arith.constant 0 : i32
    %c0_i32_0 = arith.constant 0 : i32
    %c0_i32_1 = arith.constant 0 : i32
    return %c0_i32, %c0_i32_0 : i32, i32
  }
  func.func @transform_9(%arg0: i32) -> (i32, i32) {
    %c0_i32 = arith.constant 0 : i32
    %c0_i32_0 = arith.constant 0 : i32
    %c0_i32_1 = arith.constant 0 : i32
    return %c0_i32, %c0_i32_0 : i32, i32
  }
  func.func @transform_10(%arg0: i32) -> (i32, i32) {
    %c0_i32 = arith.constant 0 : i32
    %c0_i32_0 = arith.constant 0 : i32
    %c0_i32_1 = arith.constant 0 : i32
    return %c0_i32, %c0_i32_0 : i32, i32
  }
  func.func @transform_11(%arg0: i32) -> (i32, i32) {
    %c0_i32 = arith.constant 0 : i32
    %c0_i32_0 = arith.constant 0 : i32
    %c0_i32_1 = arith.constant 0 : i32
    return %c0_i32, %c0_i32_0 : i32, i32
  }
  func.func @transform_12(%arg0: i32) -> (i32, i32) {
    %c0_i32 = arith.constant 0 : i32
    %c0_i32_0 = arith.constant 0 : i32
    %c0_i32_1 = arith.constant 0 : i32
    return %c0_i32, %c0_i32_0 : i32, i32
  }
  func.func @transform_13(%arg0: i32) -> (i32, i32) {
    %c0_i32 = arith.constant 0 : i32
    %c0_i32_0 = arith.constant 0 : i32
    %c0_i32_1 = arith.constant 0 : i32
    return %c0_i32, %c0_i32_0 : i32, i32
  }
  func.func @transform_14(%arg0: i32) -> (i32, i32, i32) {
    %c0_i32 = arith.constant 0 : i32
    %c0_i32_0 = arith.constant 0 : i32
    %c0_i32_1 = arith.constant 0 : i32
    %c0_i32_2 = arith.constant 0 : i32
    return %c0_i32, %c0_i32_0, %c0_i32_1 : i32, i32, i32
  }
  func.func @transform_15(%arg0: i32) -> (i32, i32) {
    %c0_i32 = arith.constant 0 : i32
    %c0_i32_0 = arith.constant 0 : i32
    %c0_i32_1 = arith.constant 0 : i32
    return %c0_i32, %c0_i32_0 : i32, i32
  }
  func.func @transform_16(%arg0: i32) -> (i32, i32) {
    %c0_i32 = arith.constant 0 : i32
    %c0_i32_0 = arith.constant 0 : i32
    %c0_i32_1 = arith.constant 0 : i32
    return %c0_i32, %c0_i32_0 : i32, i32
  }
  func.func @transform_17(%arg0: i32) -> (i32, i32) {
    %c0_i32 = arith.constant 0 : i32
    %c0_i32_0 = arith.constant 0 : i32
    %c0_i32_1 = arith.constant 0 : i32
    return %c0_i32, %c0_i32_0 : i32, i32
  }
  func.func @transform_18(%arg0: i32) -> (i32, i32) {
    %c0_i32 = arith.constant 0 : i32
    %c0_i32_0 = arith.constant 0 : i32
    %c0_i32_1 = arith.constant 0 : i32
    return %c0_i32, %c0_i32_0 : i32, i32
  }
  func.func @transform_19(%arg0: i32) -> (i32, i32) {
    %c0_i32 = arith.constant 0 : i32
    %c0_i32_0 = arith.constant 0 : i32
    %c0_i32_1 = arith.constant 0 : i32
    return %c0_i32, %c0_i32_0 : i32, i32
  }
  func.func @transform_20(%arg0: i32) -> (i32, i32) {
    %c0_i32 = arith.constant 0 : i32
    %c0_i32_0 = arith.constant 0 : i32
    %c0_i32_1 = arith.constant 0 : i32
    return %c0_i32, %c0_i32_0 : i32, i32
  }
  func.func @transform_21(%arg0: i32) -> (i32, i32, i32) {
    %c0_i32 = arith.constant 0 : i32
    %c0_i32_0 = arith.constant 0 : i32
    %c0_i32_1 = arith.constant 0 : i32
    return %arg0, %c0_i32, %c0_i32_0 : i32, i32, i32
  }
}

module attributes {stable_mosaic.version = 14 : i64} {
  func.func @_linvq_idx_body(%arg0: i32, %arg1: memref<1x1024x500xf32, #tpu.memory_space<vmem>>, %arg2: memref<1024x1024xf32, #tpu.memory_space<vmem>>, %arg3: memref<1x1x512xi32, #tpu.memory_space<vmem>>, %arg4: memref<1x1024xf32, #tpu.memory_space<vmem>>) attributes {dimension_semantics = [#tpu.dimension_semantics<arbitrary>], iteration_bounds = array<i64: 8>, scalar_prefetch = 0 : i64, scratch_operands = 1 : i64, tpu.core_type = #tpu.core_type<tc>, window_params = [{transform_indices = @transform_0, window_bounds = array<i64: 1, 1024, 500>}, {pipeline_mode = #tpu.pipeline_mode<synchronous>, transform_indices = @transform_1, window_bounds = array<i64: 1024, 1024>}, {transform_indices = @transform_2, window_bounds = array<i64: 1, 1, 512>}]} {
    %eq3A = arith.constant 0 : i32
    %eq3A_0 = arith.cmpi eq, %arg0, %eq3A : i32
    %convert_element_type3A = arith.extui %eq3A_0 : i1 to i32
    %cond3A = arith.constant 0 : i32
    %cond3A_1 = arith.cmpi ne, %convert_element_type3A, %cond3A : i32
    scf.if %cond3A_1 {
      %get3A_32 = arith.constant 0 : index
      %get3A_33 = arith.constant 0 : index
      %get3A_34 = vector.load %arg2[%get3A_32, %get3A_33] : memref<1024x1024xf32, #tpu.memory_space<vmem>>, vector<1024x1024xf32>
      %mul3A_35 = arith.mulf %get3A_34, %get3A_34 : vector<1024x1024xf32>
      %reduce_sum3A_36 = arith.constant dense<0.000000e+00> : vector<1024xf32>
      %reduce_sum3A_37 = vector.multi_reduction <add>, %mul3A_35, %reduce_sum3A_36 [1] : vector<1024x1024xf32> to vector<1024xf32>
      %broadcast_in_dim3A_38 = vector.shape_cast %reduce_sum3A_37 : vector<1024xf32> to vector<1x1024xf32>
      %swap3A_39 = arith.constant 0 : index
      %swap3A_40 = arith.constant 0 : index
      %swap3A_41 = vector.load %arg4[%swap3A_39, %swap3A_40] : memref<1x1024xf32, #tpu.memory_space<vmem>>, vector<1x1024xf32>
      tpu.vector_store %arg4[%swap3A_39, %swap3A_40], %broadcast_in_dim3A_38 {strides = array<i32>} : memref<1x1024xf32, #tpu.memory_space<vmem>>, vector<1x1024xf32>,
    } else {
    }
    %get3A = arith.constant 0 : index
    %get3A_2 = arith.constant 0 : index
    %get3A_3 = arith.constant 0 : index
    %get3A_4 = vector.load %arg1[%get3A, %get3A_2, %get3A_3] : memref<1x1024x500xf32, #tpu.memory_space<vmem>>, vector<1x1024x500xf32>
    %get3A_5 = vector.shape_cast %get3A_4 : vector<1x1024x500xf32> to vector<1024x500xf32>
    %transpose3A = tpu.transpose %get3A_5, [1, 0] : vector<1024x500xf32> -> vector<500x1024xf32>
    %get3A_6 = arith.constant 0 : index
    %get3A_7 = arith.constant 0 : index
    %get3A_8 = vector.load %arg2[%get3A_6, %get3A_7] : memref<1024x1024xf32, #tpu.memory_space<vmem>>, vector<1024x1024xf32>
    %get3A_9 = arith.constant 0 : index
    %get3A_10 = arith.constant 0 : index
    %get3A_11 = vector.load %arg4[%get3A_9, %get3A_10] : memref<1x1024xf32, #tpu.memory_space<vmem>>, vector<1x1024xf32>
    %dot_general3A = arith.constant dense<0.000000e+00> : vector<500x1024xf32>
    %dot_general3A_12 = tpu.matmul %transpose3A, %get3A_8, %dot_general3A {dimension_numbers = #tpu.dot_dimension_numbers<[1], [1], [0], [0], [0, 0, 1, 0], [], []>, transpose_lhs_hint = false} : vector<500x1024xf32>, vector<1024x1024xf32>, vector<500x1024xf32> -> vector<500x1024xf32>
    %mul3A = arith.mulf %transpose3A, %transpose3A : vector<500x1024xf32>
    %reduce_sum3A = arith.constant dense<0.000000e+00> : vector<500xf32>
    %reduce_sum3A_13 = vector.multi_reduction <add>, %mul3A, %reduce_sum3A [1] : vector<500x1024xf32> to vector<500xf32>
    %broadcast_in_dim3A = vector.shape_cast %reduce_sum3A_13 : vector<500xf32> to vector<500x1xf32>
    %mul3A_14 = arith.constant 2.000000e+00 : f32
    %mul3A_15 = vector.broadcast %mul3A_14 : f32 to vector<500x1024xf32>
    %mul3A_16 = arith.mulf %mul3A_15, %dot_general3A_12 : vector<500x1024xf32>
    %sub3A = vector.broadcast %broadcast_in_dim3A : vector<500x1xf32> to vector<500x1024xf32>
    %sub3A_17 = arith.subf %sub3A, %mul3A_16 : vector<500x1024xf32>
    %add3A = vector.broadcast %get3A_11 : vector<1x1024xf32> to vector<500x1024xf32>
    %add3A_18 = arith.addf %sub3A_17, %add3A : vector<500x1024xf32>
    %reduce_min3A = arith.constant dense<0x7F800000> : vector<500xf32>
    %reduce_min3A_19 = vector.multi_reduction <minimumf>, %add3A_18, %reduce_min3A [1] : vector<500x1024xf32> to vector<500xf32>
    %broadcast_in_dim3A_20 = vector.shape_cast %reduce_min3A_19 : vector<500xf32> to vector<500x1xf32>
    %iota3A = tpu.iota {dimensions = array<i32: 1>} : vector<500x1024xi32>
    %eq3A_21 = vector.broadcast %broadcast_in_dim3A_20 : vector<500x1xf32> to vector<500x1024xf32>
    %eq3A_22 = arith.cmpf oeq, %add3A_18, %eq3A_21 : vector<500x1024xf32>
    %jit3A = arith.constant 1024 : i32
    %broadcast_in_dim3A_23 = vector.broadcast %jit3A : i32 to vector<500x1024xi32>
    %select_n3A = arith.select %eq3A_22, %iota3A, %broadcast_in_dim3A_23 : vector<500x1024xi1>, vector<500x1024xi32>
    %reduce_min3A_24 = arith.constant dense<2147483647> : vector<500xi32>
    %reduce_min3A_25 = vector.multi_reduction <minsi>, %select_n3A, %reduce_min3A_24 [1] : vector<500x1024xi32> to vector<500xi32>
    %jit3A_26 = arith.constant 0 : i32
    %pad3A = vector.broadcast %jit3A_26 : i32 to vector<12xi32>
    %pad3A_27 = tpu.concatenate %reduce_min3A_25, %pad3A in 0 : vector<500xi32>, vector<12xi32> -> vector<512xi32>
    %broadcast_in_dim3A_28 = vector.shape_cast %pad3A_27 : vector<512xi32> to vector<1x1x512xi32>
    %swap3A = arith.constant 0 : index
    %swap3A_29 = arith.constant 0 : index
    %swap3A_30 = arith.constant 0 : index
    %swap3A_31 = vector.load %arg3[%swap3A, %swap3A_29, %swap3A_30] : memref<1x1x512xi32, #tpu.memory_space<vmem>>, vector<1x1x512xi32>
    tpu.vector_store %arg3[%swap3A, %swap3A_29, %swap3A_30], %broadcast_in_dim3A_28 {strides = array<i32>} : memref<1x1x512xi32, #tpu.memory_space<vmem>>, vector<1x1x512xi32>,
    return
  }
  func.func @transform_0(%arg0: i32) -> (i32, i32, i32) {
    %c0_i32 = arith.constant 0 : i32
    %c0_i32_0 = arith.constant 0 : i32
    %c0_i32_1 = arith.constant 0 : i32
    return %arg0, %c0_i32, %c0_i32_0 : i32, i32, i32
  }
  func.func @transform_1(%arg0: i32) -> (i32, i32) {
    %c0_i32 = arith.constant 0 : i32
    %c0_i32_0 = arith.constant 0 : i32
    %c0_i32_1 = arith.constant 0 : i32
    return %c0_i32, %c0_i32_0 : i32, i32
  }
  func.func @transform_2(%arg0: i32) -> (i32, i32, i32) {
    %c0_i32 = arith.constant 0 : i32
    %c0_i32_0 = arith.constant 0 : i32
    %c0_i32_1 = arith.constant 0 : i32
    return %arg0, %c0_i32, %c0_i32_0 : i32, i32, i32
  }
}

module attributes {stable_mosaic.version = 14 : i64} {
  func.func @_fused_body(%arg0: i32, %arg1: memref<1x1024x500xf32, #tpu.memory_space<vmem>>, %arg2: memref<1x512x1024xf32, #tpu.memory_space<vmem>>, %arg3: memref<1024x512xf32, #tpu.memory_space<vmem>>, %arg4: memref<1x512xf32, #tpu.memory_space<vmem>>, %arg5: memref<512x512xf32, #tpu.memory_space<vmem>>, %arg6: memref<1x512xf32, #tpu.memory_space<vmem>>, %arg7: memref<512x256xf32, #tpu.memory_space<vmem>>, %arg8: memref<1x256xf32, #tpu.memory_space<vmem>>, %arg9: memref<1024x512xf32, #tpu.memory_space<vmem>>, %arg10: memref<1x512xf32, #tpu.memory_space<vmem>>, %arg11: memref<512x512xf32, #tpu.memory_space<vmem>>, %arg12: memref<1x512xf32, #tpu.memory_space<vmem>>, %arg13: memref<512x256xf32, #tpu.memory_space<vmem>>, %arg14: memref<1x256xf32, #tpu.memory_space<vmem>>, %arg15: memref<8x1024x256xf32, #tpu.memory_space<vmem>>, %arg16: memref<256x512xf32, #tpu.memory_space<vmem>>, %arg17: memref<1x512xf32, #tpu.memory_space<vmem>>, %arg18: memref<512x512xf32, #tpu.memory_space<vmem>>, %arg19: memref<1x512xf32, #tpu.memory_space<vmem>>, %arg20: memref<512x1024xf32, #tpu.memory_space<vmem>>, %arg21: memref<1x1024xf32, #tpu.memory_space<vmem>>, %arg22: memref<1x1024x500xf32, #tpu.memory_space<vmem>>, %arg23: memref<8x1024xf32, #tpu.memory_space<vmem>>) attributes {dimension_semantics = [#tpu.dimension_semantics<arbitrary>], iteration_bounds = array<i64: 8>, scalar_prefetch = 0 : i64, scratch_operands = 1 : i64, tpu.core_type = #tpu.core_type<tc>, window_params = [{transform_indices = @transform_0, window_bounds = array<i64: 1, 1024, 500>}, {transform_indices = @transform_1, window_bounds = array<i64: 1, 512, 1024>}, {pipeline_mode = #tpu.pipeline_mode<synchronous>, transform_indices = @transform_2, window_bounds = array<i64: 1024, 512>}, {pipeline_mode = #tpu.pipeline_mode<synchronous>, transform_indices = @transform_3, window_bounds = array<i64: 1, 512>}, {pipeline_mode = #tpu.pipeline_mode<synchronous>, transform_indices = @transform_4, window_bounds = array<i64: 512, 512>}, {pipeline_mode = #tpu.pipeline_mode<synchronous>, transform_indices = @transform_5, window_bounds = array<i64: 1, 512>}, {pipeline_mode = #tpu.pipeline_mode<synchronous>, transform_indices = @transform_6, window_bounds = array<i64: 512, 256>}, {pipeline_mode = #tpu.pipeline_mode<synchronous>, transform_indices = @transform_7, window_bounds = array<i64: 1, 256>}, {pipeline_mode = #tpu.pipeline_mode<synchronous>, transform_indices = @transform_8, window_bounds = array<i64: 1024, 512>}, {pipeline_mode = #tpu.pipeline_mode<synchronous>, transform_indices = @transform_9, window_bounds = array<i64: 1, 512>}, {pipeline_mode = #tpu.pipeline_mode<synchronous>, transform_indices = @transform_10, window_bounds = array<i64: 512, 512>}, {pipeline_mode = #tpu.pipeline_mode<synchronous>, transform_indices = @transform_11, window_bounds = array<i64: 1, 512>}, {pipeline_mode = #tpu.pipeline_mode<synchronous>, transform_indices = @transform_12, window_bounds = array<i64: 512, 256>}, {pipeline_mode = #tpu.pipeline_mode<synchronous>, transform_indices = @transform_13, window_bounds = array<i64: 1, 256>}, {pipeline_mode = #tpu.pipeline_mode<synchronous>, transform_indices = @transform_14, window_bounds = array<i64: 8, 1024, 256>}, {pipeline_mode = #tpu.pipeline_mode<synchronous>, transform_indices = @transform_15, window_bounds = array<i64: 256, 512>}, {pipeline_mode = #tpu.pipeline_mode<synchronous>, transform_indices = @transform_16, window_bounds = array<i64: 1, 512>}, {pipeline_mode = #tpu.pipeline_mode<synchronous>, transform_indices = @transform_17, window_bounds = array<i64: 512, 512>}, {pipeline_mode = #tpu.pipeline_mode<synchronous>, transform_indices = @transform_18, window_bounds = array<i64: 1, 512>}, {pipeline_mode = #tpu.pipeline_mode<synchronous>, transform_indices = @transform_19, window_bounds = array<i64: 512, 1024>}, {pipeline_mode = #tpu.pipeline_mode<synchronous>, transform_indices = @transform_20, window_bounds = array<i64: 1, 1024>}, {transform_indices = @transform_21, window_bounds = array<i64: 1, 1024, 500>}]} {
    %eq3A = arith.constant 0 : i32
    %eq3A_0 = arith.cmpi eq, %arg0, %eq3A : i32
    %convert_element_type3A = arith.extui %eq3A_0 : i1 to i32
    %cond3A = arith.constant 0 : i32
    %cond3A_1 = arith.cmpi ne, %convert_element_type3A, %cond3A : i32
    scf.if %cond3A_1 {
      %get3A_485 = arith.constant 0 : index
      %get3A_486 = arith.constant 0 : index
      %get3A_487 = arith.constant 0 : index
      %get3A_488 = vector.load %arg15[%get3A_485, %get3A_486, %get3A_487] : memref<8x1024x256xf32, #tpu.memory_space<vmem>>, vector<1x1024x256xf32>
      %get3A_489 = vector.shape_cast %get3A_488 : vector<1x1024x256xf32> to vector<1024x256xf32>
      %mul3A_490 = arith.mulf %get3A_489, %get3A_489 : vector<1024x256xf32>
      %reduce_sum3A_491 = arith.constant dense<0.000000e+00> : vector<1024xf32>
      %reduce_sum3A_492 = vector.multi_reduction <add>, %mul3A_490, %reduce_sum3A_491 [1] : vector<1024x256xf32> to vector<1024xf32>
      %swap3A_493 = arith.constant 0 : index
      %swap3A_494 = arith.constant 0 : index
      %swap3A_495 = vector.load %arg23[%swap3A_493, %swap3A_494] : memref<8x1024xf32, #tpu.memory_space<vmem>>, vector<1x1024xf32>
      %swap3A_496 = vector.shape_cast %swap3A_495 : vector<1x1024xf32> to vector<1024xf32>
      %swap3A_497 = vector.shape_cast %reduce_sum3A_492 : vector<1024xf32> to vector<1x1024xf32>
      tpu.vector_store %arg23[%swap3A_493, %swap3A_494], %swap3A_497 {strides = array<i32>} : memref<8x1024xf32, #tpu.memory_space<vmem>>, vector<1x1024xf32>,
      %get3A_498 = arith.constant 1 : index
      %get3A_499 = arith.constant 0 : index
      %get3A_500 = arith.constant 0 : index
      %get3A_501 = vector.load %arg15[%get3A_498, %get3A_499, %get3A_500] : memref<8x1024x256xf32, #tpu.memory_space<vmem>>, vector<1x1024x256xf32>
      %get3A_502 = vector.shape_cast %get3A_501 : vector<1x1024x256xf32> to vector<1024x256xf32>
      %mul3A_503 = arith.mulf %get3A_502, %get3A_502 : vector<1024x256xf32>
      %reduce_sum3A_504 = arith.constant dense<0.000000e+00> : vector<1024xf32>
      %reduce_sum3A_505 = vector.multi_reduction <add>, %mul3A_503, %reduce_sum3A_504 [1] : vector<1024x256xf32> to vector<1024xf32>
      %swap3A_506 = arith.constant 1 : index
      %swap3A_507 = arith.constant 0 : index
      %swap3A_508 = vector.load %arg23[%swap3A_506, %swap3A_507] : memref<8x1024xf32, #tpu.memory_space<vmem>>, vector<1x1024xf32>
      %swap3A_509 = vector.shape_cast %swap3A_508 : vector<1x1024xf32> to vector<1024xf32>
      %swap3A_510 = vector.shape_cast %reduce_sum3A_505 : vector<1024xf32> to vector<1x1024xf32>
      tpu.vector_store %arg23[%swap3A_506, %swap3A_507], %swap3A_510 {strides = array<i32>} : memref<8x1024xf32, #tpu.memory_space<vmem>>, vector<1x1024xf32>,
      %get3A_511 = arith.constant 2 : index
      %get3A_512 = arith.constant 0 : index
      %get3A_513 = arith.constant 0 : index
      %get3A_514 = vector.load %arg15[%get3A_511, %get3A_512, %get3A_513] : memref<8x1024x256xf32, #tpu.memory_space<vmem>>, vector<1x1024x256xf32>
      %get3A_515 = vector.shape_cast %get3A_514 : vector<1x1024x256xf32> to vector<1024x256xf32>
      %mul3A_516 = arith.mulf %get3A_515, %get3A_515 : vector<1024x256xf32>
      %reduce_sum3A_517 = arith.constant dense<0.000000e+00> : vector<1024xf32>
      %reduce_sum3A_518 = vector.multi_reduction <add>, %mul3A_516, %reduce_sum3A_517 [1] : vector<1024x256xf32> to vector<1024xf32>
      %swap3A_519 = arith.constant 2 : index
      %swap3A_520 = arith.constant 0 : index
      %swap3A_521 = vector.load %arg23[%swap3A_519, %swap3A_520] : memref<8x1024xf32, #tpu.memory_space<vmem>>, vector<1x1024xf32>
      %swap3A_522 = vector.shape_cast %swap3A_521 : vector<1x1024xf32> to vector<1024xf32>
      %swap3A_523 = vector.shape_cast %reduce_sum3A_518 : vector<1024xf32> to vector<1x1024xf32>
      tpu.vector_store %arg23[%swap3A_519, %swap3A_520], %swap3A_523 {strides = array<i32>} : memref<8x1024xf32, #tpu.memory_space<vmem>>, vector<1x1024xf32>,
      %get3A_524 = arith.constant 3 : index
      %get3A_525 = arith.constant 0 : index
      %get3A_526 = arith.constant 0 : index
      %get3A_527 = vector.load %arg15[%get3A_524, %get3A_525, %get3A_526] : memref<8x1024x256xf32, #tpu.memory_space<vmem>>, vector<1x1024x256xf32>
      %get3A_528 = vector.shape_cast %get3A_527 : vector<1x1024x256xf32> to vector<1024x256xf32>
      %mul3A_529 = arith.mulf %get3A_528, %get3A_528 : vector<1024x256xf32>
      %reduce_sum3A_530 = arith.constant dense<0.000000e+00> : vector<1024xf32>
      %reduce_sum3A_531 = vector.multi_reduction <add>, %mul3A_529, %reduce_sum3A_530 [1] : vector<1024x256xf32> to vector<1024xf32>
      %swap3A_532 = arith.constant 3 : index
      %swap3A_533 = arith.constant 0 : index
      %swap3A_534 = vector.load %arg23[%swap3A_532, %swap3A_533] : memref<8x1024xf32, #tpu.memory_space<vmem>>, vector<1x1024xf32>
      %swap3A_535 = vector.shape_cast %swap3A_534 : vector<1x1024xf32> to vector<1024xf32>
      %swap3A_536 = vector.shape_cast %reduce_sum3A_531 : vector<1024xf32> to vector<1x1024xf32>
      tpu.vector_store %arg23[%swap3A_532, %swap3A_533], %swap3A_536 {strides = array<i32>} : memref<8x1024xf32, #tpu.memory_space<vmem>>, vector<1x1024xf32>,
      %get3A_537 = arith.constant 4 : index
      %get3A_538 = arith.constant 0 : index
      %get3A_539 = arith.constant 0 : index
      %get3A_540 = vector.load %arg15[%get3A_537, %get3A_538, %get3A_539] : memref<8x1024x256xf32, #tpu.memory_space<vmem>>, vector<1x1024x256xf32>
      %get3A_541 = vector.shape_cast %get3A_540 : vector<1x1024x256xf32> to vector<1024x256xf32>
      %mul3A_542 = arith.mulf %get3A_541, %get3A_541 : vector<1024x256xf32>
      %reduce_sum3A_543 = arith.constant dense<0.000000e+00> : vector<1024xf32>
      %reduce_sum3A_544 = vector.multi_reduction <add>, %mul3A_542, %reduce_sum3A_543 [1] : vector<1024x256xf32> to vector<1024xf32>
      %swap3A_545 = arith.constant 4 : index
      %swap3A_546 = arith.constant 0 : index
      %swap3A_547 = vector.load %arg23[%swap3A_545, %swap3A_546] : memref<8x1024xf32, #tpu.memory_space<vmem>>, vector<1x1024xf32>
      %swap3A_548 = vector.shape_cast %swap3A_547 : vector<1x1024xf32> to vector<1024xf32>
      %swap3A_549 = vector.shape_cast %reduce_sum3A_544 : vector<1024xf32> to vector<1x1024xf32>
      tpu.vector_store %arg23[%swap3A_545, %swap3A_546], %swap3A_549 {strides = array<i32>} : memref<8x1024xf32, #tpu.memory_space<vmem>>, vector<1x1024xf32>,
      %get3A_550 = arith.constant 5 : index
      %get3A_551 = arith.constant 0 : index
      %get3A_552 = arith.constant 0 : index
      %get3A_553 = vector.load %arg15[%get3A_550, %get3A_551, %get3A_552] : memref<8x1024x256xf32, #tpu.memory_space<vmem>>, vector<1x1024x256xf32>
      %get3A_554 = vector.shape_cast %get3A_553 : vector<1x1024x256xf32> to vector<1024x256xf32>
      %mul3A_555 = arith.mulf %get3A_554, %get3A_554 : vector<1024x256xf32>
      %reduce_sum3A_556 = arith.constant dense<0.000000e+00> : vector<1024xf32>
      %reduce_sum3A_557 = vector.multi_reduction <add>, %mul3A_555, %reduce_sum3A_556 [1] : vector<1024x256xf32> to vector<1024xf32>
      %swap3A_558 = arith.constant 5 : index
      %swap3A_559 = arith.constant 0 : index
      %swap3A_560 = vector.load %arg23[%swap3A_558, %swap3A_559] : memref<8x1024xf32, #tpu.memory_space<vmem>>, vector<1x1024xf32>
      %swap3A_561 = vector.shape_cast %swap3A_560 : vector<1x1024xf32> to vector<1024xf32>
      %swap3A_562 = vector.shape_cast %reduce_sum3A_557 : vector<1024xf32> to vector<1x1024xf32>
      tpu.vector_store %arg23[%swap3A_558, %swap3A_559], %swap3A_562 {strides = array<i32>} : memref<8x1024xf32, #tpu.memory_space<vmem>>, vector<1x1024xf32>,
      %get3A_563 = arith.constant 6 : index
      %get3A_564 = arith.constant 0 : index
      %get3A_565 = arith.constant 0 : index
      %get3A_566 = vector.load %arg15[%get3A_563, %get3A_564, %get3A_565] : memref<8x1024x256xf32, #tpu.memory_space<vmem>>, vector<1x1024x256xf32>
      %get3A_567 = vector.shape_cast %get3A_566 : vector<1x1024x256xf32> to vector<1024x256xf32>
      %mul3A_568 = arith.mulf %get3A_567, %get3A_567 : vector<1024x256xf32>
      %reduce_sum3A_569 = arith.constant dense<0.000000e+00> : vector<1024xf32>
      %reduce_sum3A_570 = vector.multi_reduction <add>, %mul3A_568, %reduce_sum3A_569 [1] : vector<1024x256xf32> to vector<1024xf32>
      %swap3A_571 = arith.constant 6 : index
      %swap3A_572 = arith.constant 0 : index
      %swap3A_573 = vector.load %arg23[%swap3A_571, %swap3A_572] : memref<8x1024xf32, #tpu.memory_space<vmem>>, vector<1x1024xf32>
      %swap3A_574 = vector.shape_cast %swap3A_573 : vector<1x1024xf32> to vector<1024xf32>
      %swap3A_575 = vector.shape_cast %reduce_sum3A_570 : vector<1024xf32> to vector<1x1024xf32>
      tpu.vector_store %arg23[%swap3A_571, %swap3A_572], %swap3A_575 {strides = array<i32>} : memref<8x1024xf32, #tpu.memory_space<vmem>>, vector<1x1024xf32>,
      %get3A_576 = arith.constant 7 : index
      %get3A_577 = arith.constant 0 : index
      %get3A_578 = arith.constant 0 : index
      %get3A_579 = vector.load %arg15[%get3A_576, %get3A_577, %get3A_578] : memref<8x1024x256xf32, #tpu.memory_space<vmem>>, vector<1x1024x256xf32>
      %get3A_580 = vector.shape_cast %get3A_579 : vector<1x1024x256xf32> to vector<1024x256xf32>
      %mul3A_581 = arith.mulf %get3A_580, %get3A_580 : vector<1024x256xf32>
      %reduce_sum3A_582 = arith.constant dense<0.000000e+00> : vector<1024xf32>
      %reduce_sum3A_583 = vector.multi_reduction <add>, %mul3A_581, %reduce_sum3A_582 [1] : vector<1024x256xf32> to vector<1024xf32>
      %swap3A_584 = arith.constant 7 : index
      %swap3A_585 = arith.constant 0 : index
      %swap3A_586 = vector.load %arg23[%swap3A_584, %swap3A_585] : memref<8x1024xf32, #tpu.memory_space<vmem>>, vector<1x1024xf32>
      %swap3A_587 = vector.shape_cast %swap3A_586 : vector<1x1024xf32> to vector<1024xf32>
      %swap3A_588 = vector.shape_cast %reduce_sum3A_583 : vector<1024xf32> to vector<1x1024xf32>
      tpu.vector_store %arg23[%swap3A_584, %swap3A_585], %swap3A_588 {strides = array<i32>} : memref<8x1024xf32, #tpu.memory_space<vmem>>, vector<1x1024xf32>,
    } else {
    }
    %get3A = arith.constant 0 : index
    %get3A_2 = arith.constant 0 : index
    %get3A_3 = arith.constant 0 : index
    %get3A_4 = vector.load %arg1[%get3A, %get3A_2, %get3A_3] : memref<1x1024x500xf32, #tpu.memory_space<vmem>>, vector<1x1024x500xf32>
    %get3A_5 = vector.shape_cast %get3A_4 : vector<1x1024x500xf32> to vector<1024x500xf32>
    %transpose3A = tpu.transpose %get3A_5, [1, 0] : vector<1024x500xf32> -> vector<500x1024xf32>
    %get3A_6 = arith.constant 0 : index
    %get3A_7 = arith.constant 0 : index
    %get3A_8 = arith.constant 0 : index
    %get3A_9 = vector.load %arg2[%get3A_6, %get3A_7, %get3A_8] : memref<1x512x1024xf32, #tpu.memory_space<vmem>>, vector<1x512x1024xf32>
    %get3A_10 = vector.shape_cast %get3A_9 : vector<1x512x1024xf32> to vector<512x1024xf32>
    %slice3A = vector.extract_strided_slice %get3A_10 {offsets = [0, 0], sizes = [500, 1024], strides = [1, 1]} : vector<512x1024xf32> to vector<500x1024xf32>
    %sub3A = arith.subf %transpose3A, %slice3A : vector<500x1024xf32>
    %get3A_11 = arith.constant 0 : index
    %get3A_12 = arith.constant 0 : index
    %get3A_13 = vector.load %arg3[%get3A_11, %get3A_12] : memref<1024x512xf32, #tpu.memory_space<vmem>>, vector<1024x512xf32>
    %get3A_14 = arith.constant 0 : index
    %get3A_15 = arith.constant 0 : index
    %get3A_16 = vector.load %arg4[%get3A_14, %get3A_15] : memref<1x512xf32, #tpu.memory_space<vmem>>, vector<1x512xf32>
    %get3A_17 = arith.constant 0 : index
    %get3A_18 = arith.constant 0 : index
    %get3A_19 = vector.load %arg5[%get3A_17, %get3A_18] : memref<512x512xf32, #tpu.memory_space<vmem>>, vector<512x512xf32>
    %get3A_20 = arith.constant 0 : index
    %get3A_21 = arith.constant 0 : index
    %get3A_22 = vector.load %arg6[%get3A_20, %get3A_21] : memref<1x512xf32, #tpu.memory_space<vmem>>, vector<1x512xf32>
    %get3A_23 = arith.constant 0 : index
    %get3A_24 = arith.constant 0 : index
    %get3A_25 = vector.load %arg7[%get3A_23, %get3A_24] : memref<512x256xf32, #tpu.memory_space<vmem>>, vector<512x256xf32>
    %get3A_26 = arith.constant 0 : index
    %get3A_27 = arith.constant 0 : index
    %get3A_28 = vector.load %arg8[%get3A_26, %get3A_27] : memref<1x256xf32, #tpu.memory_space<vmem>>, vector<1x256xf32>
    %dot_general3A = arith.constant dense<0.000000e+00> : vector<500x512xf32>
    %dot_general3A_29 = tpu.matmul %sub3A, %get3A_13, %dot_general3A {dimension_numbers = #tpu.dot_dimension_numbers<[1], [0], [0], [1], [0, 0, 1, 1], [], []>, transpose_lhs_hint = false} : vector<500x1024xf32>, vector<1024x512xf32>, vector<500x512xf32> -> vector<500x512xf32>
    %add3A = vector.broadcast %get3A_16 : vector<1x512xf32> to vector<500x512xf32>
    %add3A_30 = arith.addf %dot_general3A_29, %add3A : vector<500x512xf32>
    %ge3A = arith.constant 0.000000e+00 : f32
    %ge3A_31 = vector.broadcast %ge3A : f32 to vector<500x512xf32>
    %ge3A_32 = arith.cmpf oge, %add3A_30, %ge3A_31 : vector<500x512xf32>
    %mul3A = arith.constant 0.00999999977 : f32
    %mul3A_33 = vector.broadcast %mul3A : f32 to vector<500x512xf32>
    %mul3A_34 = arith.mulf %mul3A_33, %add3A_30 : vector<500x512xf32>
    %select_n3A = arith.select %ge3A_32, %add3A_30, %mul3A_34 : vector<500x512xi1>, vector<500x512xf32>
    %dot_general3A_35 = arith.constant dense<0.000000e+00> : vector<500x512xf32>
    %dot_general3A_36 = tpu.matmul %select_n3A, %get3A_19, %dot_general3A_35 {dimension_numbers = #tpu.dot_dimension_numbers<[1], [0], [0], [1], [0, 0, 1, 1], [], []>, transpose_lhs_hint = false} : vector<500x512xf32>, vector<512x512xf32>, vector<500x512xf32> -> vector<500x512xf32>
    %add3A_37 = vector.broadcast %get3A_22 : vector<1x512xf32> to vector<500x512xf32>
    %add3A_38 = arith.addf %dot_general3A_36, %add3A_37 : vector<500x512xf32>
    %ge3A_39 = arith.constant 0.000000e+00 : f32
    %ge3A_40 = vector.broadcast %ge3A_39 : f32 to vector<500x512xf32>
    %ge3A_41 = arith.cmpf oge, %add3A_38, %ge3A_40 : vector<500x512xf32>
    %mul3A_42 = arith.constant 0.00999999977 : f32
    %mul3A_43 = vector.broadcast %mul3A_42 : f32 to vector<500x512xf32>
    %mul3A_44 = arith.mulf %mul3A_43, %add3A_38 : vector<500x512xf32>
    %select_n3A_45 = arith.select %ge3A_41, %add3A_38, %mul3A_44 : vector<500x512xi1>, vector<500x512xf32>
    %dot_general3A_46 = arith.constant dense<0.000000e+00> : vector<500x256xf32>
    %dot_general3A_47 = tpu.matmul %select_n3A_45, %get3A_25, %dot_general3A_46 {dimension_numbers = #tpu.dot_dimension_numbers<[1], [0], [0], [1], [0, 0, 1, 1], [], []>, transpose_lhs_hint = false} : vector<500x512xf32>, vector<512x256xf32>, vector<500x256xf32> -> vector<500x256xf32>
    %add3A_48 = vector.broadcast %get3A_28 : vector<1x256xf32> to vector<500x256xf32>
    %add3A_49 = arith.addf %dot_general3A_47, %add3A_48 : vector<500x256xf32>
    %get3A_50 = arith.constant 0 : index
    %get3A_51 = arith.constant 0 : index
    %get3A_52 = vector.load %arg9[%get3A_50, %get3A_51] : memref<1024x512xf32, #tpu.memory_space<vmem>>, vector<1024x512xf32>
    %get3A_53 = arith.constant 0 : index
    %get3A_54 = arith.constant 0 : index
    %get3A_55 = vector.load %arg10[%get3A_53, %get3A_54] : memref<1x512xf32, #tpu.memory_space<vmem>>, vector<1x512xf32>
    %get3A_56 = arith.constant 0 : index
    %get3A_57 = arith.constant 0 : index
    %get3A_58 = vector.load %arg11[%get3A_56, %get3A_57] : memref<512x512xf32, #tpu.memory_space<vmem>>, vector<512x512xf32>
    %get3A_59 = arith.constant 0 : index
    %get3A_60 = arith.constant 0 : index
    %get3A_61 = vector.load %arg12[%get3A_59, %get3A_60] : memref<1x512xf32, #tpu.memory_space<vmem>>, vector<1x512xf32>
    %get3A_62 = arith.constant 0 : index
    %get3A_63 = arith.constant 0 : index
    %get3A_64 = vector.load %arg13[%get3A_62, %get3A_63] : memref<512x256xf32, #tpu.memory_space<vmem>>, vector<512x256xf32>
    %get3A_65 = arith.constant 0 : index
    %get3A_66 = arith.constant 0 : index
    %get3A_67 = vector.load %arg14[%get3A_65, %get3A_66] : memref<1x256xf32, #tpu.memory_space<vmem>>, vector<1x256xf32>
    %dot_general3A_68 = arith.constant dense<0.000000e+00> : vector<500x512xf32>
    %dot_general3A_69 = tpu.matmul %slice3A, %get3A_52, %dot_general3A_68 {dimension_numbers = #tpu.dot_dimension_numbers<[1], [0], [0], [1], [0, 0, 1, 1], [], []>, transpose_lhs_hint = false} : vector<500x1024xf32>, vector<1024x512xf32>, vector<500x512xf32> -> vector<500x512xf32>
    %add3A_70 = vector.broadcast %get3A_55 : vector<1x512xf32> to vector<500x512xf32>
    %add3A_71 = arith.addf %dot_general3A_69, %add3A_70 : vector<500x512xf32>
    %max3A = arith.constant 0.000000e+00 : f32
    %max3A_72 = vector.broadcast %max3A : f32 to vector<500x512xf32>
    %max3A_73 = arith.maximumf %add3A_71, %max3A_72 : vector<500x512xf32>
    %dot_general3A_74 = arith.constant dense<0.000000e+00> : vector<500x512xf32>
    %dot_general3A_75 = tpu.matmul %max3A_73, %get3A_58, %dot_general3A_74 {dimension_numbers = #tpu.dot_dimension_numbers<[1], [0], [0], [1], [0, 0, 1, 1], [], []>, transpose_lhs_hint = false} : vector<500x512xf32>, vector<512x512xf32>, vector<500x512xf32> -> vector<500x512xf32>
    %add3A_76 = vector.broadcast %get3A_61 : vector<1x512xf32> to vector<500x512xf32>
    %add3A_77 = arith.addf %dot_general3A_75, %add3A_76 : vector<500x512xf32>
    %max3A_78 = arith.constant 0.000000e+00 : f32
    %max3A_79 = vector.broadcast %max3A_78 : f32 to vector<500x512xf32>
    %max3A_80 = arith.maximumf %add3A_77, %max3A_79 : vector<500x512xf32>
    %dot_general3A_81 = arith.constant dense<0.000000e+00> : vector<500x256xf32>
    %dot_general3A_82 = tpu.matmul %max3A_80, %get3A_64, %dot_general3A_81 {dimension_numbers = #tpu.dot_dimension_numbers<[1], [0], [0], [1], [0, 0, 1, 1], [], []>, transpose_lhs_hint = false} : vector<500x512xf32>, vector<512x256xf32>, vector<500x256xf32> -> vector<500x256xf32>
    %add3A_83 = vector.broadcast %get3A_67 : vector<1x256xf32> to vector<500x256xf32>
    %add3A_84 = arith.addf %dot_general3A_82, %add3A_83 : vector<500x256xf32>
    %max3A_85 = arith.constant 0.000000e+00 : f32
    %max3A_86 = vector.broadcast %max3A_85 : f32 to vector<500x256xf32>
    %max3A_87 = arith.maximumf %add3A_84, %max3A_86 : vector<500x256xf32>
    %add3A_88 = arith.constant 9.99999993E-9 : f32
    %add3A_89 = vector.broadcast %add3A_88 : f32 to vector<500x256xf32>
    %add3A_90 = arith.addf %max3A_87, %add3A_89 : vector<500x256xf32>
    %div3A = arith.divf %add3A_49, %add3A_90 : vector<500x256xf32>
    %broadcast_in_dim3A = arith.constant 0.000000e+00 : f32
    %broadcast_in_dim3A_91 = vector.broadcast %broadcast_in_dim3A : f32 to vector<500x256xf32>
    %get3A_92 = arith.constant 0 : index
    %get3A_93 = arith.constant 0 : index
    %get3A_94 = arith.constant 0 : index
    %get3A_95 = vector.load %arg15[%get3A_92, %get3A_93, %get3A_94] : memref<8x1024x256xf32, #tpu.memory_space<vmem>>, vector<1x1024x256xf32>
    %get3A_96 = vector.shape_cast %get3A_95 : vector<1x1024x256xf32> to vector<1024x256xf32>
    %get3A_97 = arith.constant 0 : index
    %get3A_98 = arith.constant 0 : index
    %get3A_99 = vector.load %arg23[%get3A_97, %get3A_98] : memref<8x1024xf32, #tpu.memory_space<vmem>>, vector<1x1024xf32>
    %get3A_100 = vector.shape_cast %get3A_99 : vector<1x1024xf32> to vector<1024xf32>
    %broadcast_in_dim3A_101 = vector.shape_cast %get3A_100 : vector<1024xf32> to vector<1x1024xf32>
    %dot_general3A_102 = arith.constant dense<0.000000e+00> : vector<500x1024xf32>
    %dot_general3A_103 = tpu.matmul %div3A, %get3A_96, %dot_general3A_102 {dimension_numbers = #tpu.dot_dimension_numbers<[1], [1], [0], [0], [0, 0, 1, 0], [], []>, transpose_lhs_hint = false} : vector<500x256xf32>, vector<1024x256xf32>, vector<500x1024xf32> -> vector<500x1024xf32>
    %mul3A_104 = arith.mulf %div3A, %div3A : vector<500x256xf32>
    %reduce_sum3A = arith.constant dense<0.000000e+00> : vector<500xf32>
    %reduce_sum3A_105 = vector.multi_reduction <add>, %mul3A_104, %reduce_sum3A [1] : vector<500x256xf32> to vector<500xf32>
    %broadcast_in_dim3A_106 = vector.shape_cast %reduce_sum3A_105 : vector<500xf32> to vector<500x1xf32>
    %mul3A_107 = arith.constant 2.000000e+00 : f32
    %mul3A_108 = vector.broadcast %mul3A_107 : f32 to vector<500x1024xf32>
    %mul3A_109 = arith.mulf %mul3A_108, %dot_general3A_103 : vector<500x1024xf32>
    %sub3A_110 = vector.broadcast %broadcast_in_dim3A_106 : vector<500x1xf32> to vector<500x1024xf32>
    %sub3A_111 = arith.subf %sub3A_110, %mul3A_109 : vector<500x1024xf32>
    %add3A_112 = vector.broadcast %broadcast_in_dim3A_101 : vector<1x1024xf32> to vector<500x1024xf32>
    %add3A_113 = arith.addf %sub3A_111, %add3A_112 : vector<500x1024xf32>
    %reduce_min3A = arith.constant dense<0x7F800000> : vector<500xf32>
    %reduce_min3A_114 = vector.multi_reduction <minimumf>, %add3A_113, %reduce_min3A [1] : vector<500x1024xf32> to vector<500xf32>
    %broadcast_in_dim3A_115 = vector.shape_cast %reduce_min3A_114 : vector<500xf32> to vector<500x1xf32>
    %iota3A = tpu.iota {dimensions = array<i32: 1>} : vector<500x1024xi32>
    %eq3A_116 = vector.broadcast %broadcast_in_dim3A_115 : vector<500x1xf32> to vector<500x1024xf32>
    %eq3A_117 = arith.cmpf oeq, %add3A_113, %eq3A_116 : vector<500x1024xf32>
    %jit3A = arith.constant 1024 : i32
    %broadcast_in_dim3A_118 = vector.broadcast %jit3A : i32 to vector<500x1024xi32>
    %select_n3A_119 = arith.select %eq3A_117, %iota3A, %broadcast_in_dim3A_118 : vector<500x1024xi1>, vector<500x1024xi32>
    %reduce_min3A_120 = arith.constant dense<2147483647> : vector<500xi32>
    %reduce_min3A_121 = vector.multi_reduction <minsi>, %select_n3A_119, %reduce_min3A_120 [1] : vector<500x1024xi32> to vector<500xi32>
    %broadcast_in_dim3A_122 = vector.shape_cast %reduce_min3A_121 : vector<500xi32> to vector<500x1xi32>
    %eq3A_123 = vector.broadcast %broadcast_in_dim3A_122 : vector<500x1xi32> to vector<500x1024xi32>
    %eq3A_124 = arith.cmpi eq, %iota3A, %eq3A_123 : vector<500x1024xi32>
    %convert_element_type3A_125 = arith.extui %eq3A_124 : vector<500x1024xi1> to vector<500x1024xi32>
    %convert_element_type3A_126 = arith.sitofp %convert_element_type3A_125 : vector<500x1024xi32> to vector<500x1024xf32>
    %dot_general3A_127 = arith.constant dense<0.000000e+00> : vector<500x256xf32>
    %dot_general3A_128 = tpu.matmul %convert_element_type3A_126, %get3A_96, %dot_general3A_127 {dimension_numbers = #tpu.dot_dimension_numbers<[1], [0], [0], [1], [0, 0, 1, 1], [], []>, transpose_lhs_hint = false} : vector<500x1024xf32>, vector<1024x256xf32>, vector<500x256xf32> -> vector<500x256xf32>
    %add3A_129 = arith.addf %broadcast_in_dim3A_91, %dot_general3A_128 : vector<500x256xf32>
    %sub3A_130 = arith.subf %div3A, %dot_general3A_128 : vector<500x256xf32>
    %get3A_131 = arith.constant 1 : index
    %get3A_132 = arith.constant 0 : index
    %get3A_133 = arith.constant 0 : index
    %get3A_134 = vector.load %arg15[%get3A_131, %get3A_132, %get3A_133] : memref<8x1024x256xf32, #tpu.memory_space<vmem>>, vector<1x1024x256xf32>
    %get3A_135 = vector.shape_cast %get3A_134 : vector<1x1024x256xf32> to vector<1024x256xf32>
    %get3A_136 = arith.constant 1 : index
    %get3A_137 = arith.constant 0 : index
    %get3A_138 = vector.load %arg23[%get3A_136, %get3A_137] : memref<8x1024xf32, #tpu.memory_space<vmem>>, vector<1x1024xf32>
    %get3A_139 = vector.shape_cast %get3A_138 : vector<1x1024xf32> to vector<1024xf32>
    %broadcast_in_dim3A_140 = vector.shape_cast %get3A_139 : vector<1024xf32> to vector<1x1024xf32>
    %dot_general3A_141 = arith.constant dense<0.000000e+00> : vector<500x1024xf32>
    %dot_general3A_142 = tpu.matmul %sub3A_130, %get3A_135, %dot_general3A_141 {dimension_numbers = #tpu.dot_dimension_numbers<[1], [1], [0], [0], [0, 0, 1, 0], [], []>, transpose_lhs_hint = false} : vector<500x256xf32>, vector<1024x256xf32>, vector<500x1024xf32> -> vector<500x1024xf32>
    %mul3A_143 = arith.mulf %sub3A_130, %sub3A_130 : vector<500x256xf32>
    %reduce_sum3A_144 = arith.constant dense<0.000000e+00> : vector<500xf32>
    %reduce_sum3A_145 = vector.multi_reduction <add>, %mul3A_143, %reduce_sum3A_144 [1] : vector<500x256xf32> to vector<500xf32>
    %broadcast_in_dim3A_146 = vector.shape_cast %reduce_sum3A_145 : vector<500xf32> to vector<500x1xf32>
    %mul3A_147 = arith.constant 2.000000e+00 : f32
    %mul3A_148 = vector.broadcast %mul3A_147 : f32 to vector<500x1024xf32>
    %mul3A_149 = arith.mulf %mul3A_148, %dot_general3A_142 : vector<500x1024xf32>
    %sub3A_150 = vector.broadcast %broadcast_in_dim3A_146 : vector<500x1xf32> to vector<500x1024xf32>
    %sub3A_151 = arith.subf %sub3A_150, %mul3A_149 : vector<500x1024xf32>
    %add3A_152 = vector.broadcast %broadcast_in_dim3A_140 : vector<1x1024xf32> to vector<500x1024xf32>
    %add3A_153 = arith.addf %sub3A_151, %add3A_152 : vector<500x1024xf32>
    %reduce_min3A_154 = arith.constant dense<0x7F800000> : vector<500xf32>
    %reduce_min3A_155 = vector.multi_reduction <minimumf>, %add3A_153, %reduce_min3A_154 [1] : vector<500x1024xf32> to vector<500xf32>
    %broadcast_in_dim3A_156 = vector.shape_cast %reduce_min3A_155 : vector<500xf32> to vector<500x1xf32>
    %iota3A_157 = tpu.iota {dimensions = array<i32: 1>} : vector<500x1024xi32>
    %eq3A_158 = vector.broadcast %broadcast_in_dim3A_156 : vector<500x1xf32> to vector<500x1024xf32>
    %eq3A_159 = arith.cmpf oeq, %add3A_153, %eq3A_158 : vector<500x1024xf32>
    %jit3A_160 = arith.constant 1024 : i32
    %broadcast_in_dim3A_161 = vector.broadcast %jit3A_160 : i32 to vector<500x1024xi32>
    %select_n3A_162 = arith.select %eq3A_159, %iota3A_157, %broadcast_in_dim3A_161 : vector<500x1024xi1>, vector<500x1024xi32>
    %reduce_min3A_163 = arith.constant dense<2147483647> : vector<500xi32>
    %reduce_min3A_164 = vector.multi_reduction <minsi>, %select_n3A_162, %reduce_min3A_163 [1] : vector<500x1024xi32> to vector<500xi32>
    %broadcast_in_dim3A_165 = vector.shape_cast %reduce_min3A_164 : vector<500xi32> to vector<500x1xi32>
    %eq3A_166 = vector.broadcast %broadcast_in_dim3A_165 : vector<500x1xi32> to vector<500x1024xi32>
    %eq3A_167 = arith.cmpi eq, %iota3A_157, %eq3A_166 : vector<500x1024xi32>
    %convert_element_type3A_168 = arith.extui %eq3A_167 : vector<500x1024xi1> to vector<500x1024xi32>
    %convert_element_type3A_169 = arith.sitofp %convert_element_type3A_168 : vector<500x1024xi32> to vector<500x1024xf32>
    %dot_general3A_170 = arith.constant dense<0.000000e+00> : vector<500x256xf32>
    %dot_general3A_171 = tpu.matmul %convert_element_type3A_169, %get3A_135, %dot_general3A_170 {dimension_numbers = #tpu.dot_dimension_numbers<[1], [0], [0], [1], [0, 0, 1, 1], [], []>, transpose_lhs_hint = false} : vector<500x1024xf32>, vector<1024x256xf32>, vector<500x256xf32> -> vector<500x256xf32>
    %add3A_172 = arith.addf %add3A_129, %dot_general3A_171 : vector<500x256xf32>
    %sub3A_173 = arith.subf %sub3A_130, %dot_general3A_171 : vector<500x256xf32>
    %get3A_174 = arith.constant 2 : index
    %get3A_175 = arith.constant 0 : index
    %get3A_176 = arith.constant 0 : index
    %get3A_177 = vector.load %arg15[%get3A_174, %get3A_175, %get3A_176] : memref<8x1024x256xf32, #tpu.memory_space<vmem>>, vector<1x1024x256xf32>
    %get3A_178 = vector.shape_cast %get3A_177 : vector<1x1024x256xf32> to vector<1024x256xf32>
    %get3A_179 = arith.constant 2 : index
    %get3A_180 = arith.constant 0 : index
    %get3A_181 = vector.load %arg23[%get3A_179, %get3A_180] : memref<8x1024xf32, #tpu.memory_space<vmem>>, vector<1x1024xf32>
    %get3A_182 = vector.shape_cast %get3A_181 : vector<1x1024xf32> to vector<1024xf32>
    %broadcast_in_dim3A_183 = vector.shape_cast %get3A_182 : vector<1024xf32> to vector<1x1024xf32>
    %dot_general3A_184 = arith.constant dense<0.000000e+00> : vector<500x1024xf32>
    %dot_general3A_185 = tpu.matmul %sub3A_173, %get3A_178, %dot_general3A_184 {dimension_numbers = #tpu.dot_dimension_numbers<[1], [1], [0], [0], [0, 0, 1, 0], [], []>, transpose_lhs_hint = false} : vector<500x256xf32>, vector<1024x256xf32>, vector<500x1024xf32> -> vector<500x1024xf32>
    %mul3A_186 = arith.mulf %sub3A_173, %sub3A_173 : vector<500x256xf32>
    %reduce_sum3A_187 = arith.constant dense<0.000000e+00> : vector<500xf32>
    %reduce_sum3A_188 = vector.multi_reduction <add>, %mul3A_186, %reduce_sum3A_187 [1] : vector<500x256xf32> to vector<500xf32>
    %broadcast_in_dim3A_189 = vector.shape_cast %reduce_sum3A_188 : vector<500xf32> to vector<500x1xf32>
    %mul3A_190 = arith.constant 2.000000e+00 : f32
    %mul3A_191 = vector.broadcast %mul3A_190 : f32 to vector<500x1024xf32>
    %mul3A_192 = arith.mulf %mul3A_191, %dot_general3A_185 : vector<500x1024xf32>
    %sub3A_193 = vector.broadcast %broadcast_in_dim3A_189 : vector<500x1xf32> to vector<500x1024xf32>
    %sub3A_194 = arith.subf %sub3A_193, %mul3A_192 : vector<500x1024xf32>
    %add3A_195 = vector.broadcast %broadcast_in_dim3A_183 : vector<1x1024xf32> to vector<500x1024xf32>
    %add3A_196 = arith.addf %sub3A_194, %add3A_195 : vector<500x1024xf32>
    %reduce_min3A_197 = arith.constant dense<0x7F800000> : vector<500xf32>
    %reduce_min3A_198 = vector.multi_reduction <minimumf>, %add3A_196, %reduce_min3A_197 [1] : vector<500x1024xf32> to vector<500xf32>
    %broadcast_in_dim3A_199 = vector.shape_cast %reduce_min3A_198 : vector<500xf32> to vector<500x1xf32>
    %iota3A_200 = tpu.iota {dimensions = array<i32: 1>} : vector<500x1024xi32>
    %eq3A_201 = vector.broadcast %broadcast_in_dim3A_199 : vector<500x1xf32> to vector<500x1024xf32>
    %eq3A_202 = arith.cmpf oeq, %add3A_196, %eq3A_201 : vector<500x1024xf32>
    %jit3A_203 = arith.constant 1024 : i32
    %broadcast_in_dim3A_204 = vector.broadcast %jit3A_203 : i32 to vector<500x1024xi32>
    %select_n3A_205 = arith.select %eq3A_202, %iota3A_200, %broadcast_in_dim3A_204 : vector<500x1024xi1>, vector<500x1024xi32>
    %reduce_min3A_206 = arith.constant dense<2147483647> : vector<500xi32>
    %reduce_min3A_207 = vector.multi_reduction <minsi>, %select_n3A_205, %reduce_min3A_206 [1] : vector<500x1024xi32> to vector<500xi32>
    %broadcast_in_dim3A_208 = vector.shape_cast %reduce_min3A_207 : vector<500xi32> to vector<500x1xi32>
    %eq3A_209 = vector.broadcast %broadcast_in_dim3A_208 : vector<500x1xi32> to vector<500x1024xi32>
    %eq3A_210 = arith.cmpi eq, %iota3A_200, %eq3A_209 : vector<500x1024xi32>
    %convert_element_type3A_211 = arith.extui %eq3A_210 : vector<500x1024xi1> to vector<500x1024xi32>
    %convert_element_type3A_212 = arith.sitofp %convert_element_type3A_211 : vector<500x1024xi32> to vector<500x1024xf32>
    %dot_general3A_213 = arith.constant dense<0.000000e+00> : vector<500x256xf32>
    %dot_general3A_214 = tpu.matmul %convert_element_type3A_212, %get3A_178, %dot_general3A_213 {dimension_numbers = #tpu.dot_dimension_numbers<[1], [0], [0], [1], [0, 0, 1, 1], [], []>, transpose_lhs_hint = false} : vector<500x1024xf32>, vector<1024x256xf32>, vector<500x256xf32> -> vector<500x256xf32>
    %add3A_215 = arith.addf %add3A_172, %dot_general3A_214 : vector<500x256xf32>
    %sub3A_216 = arith.subf %sub3A_173, %dot_general3A_214 : vector<500x256xf32>
    %get3A_217 = arith.constant 3 : index
    %get3A_218 = arith.constant 0 : index
    %get3A_219 = arith.constant 0 : index
    %get3A_220 = vector.load %arg15[%get3A_217, %get3A_218, %get3A_219] : memref<8x1024x256xf32, #tpu.memory_space<vmem>>, vector<1x1024x256xf32>
    %get3A_221 = vector.shape_cast %get3A_220 : vector<1x1024x256xf32> to vector<1024x256xf32>
    %get3A_222 = arith.constant 3 : index
    %get3A_223 = arith.constant 0 : index
    %get3A_224 = vector.load %arg23[%get3A_222, %get3A_223] : memref<8x1024xf32, #tpu.memory_space<vmem>>, vector<1x1024xf32>
    %get3A_225 = vector.shape_cast %get3A_224 : vector<1x1024xf32> to vector<1024xf32>
    %broadcast_in_dim3A_226 = vector.shape_cast %get3A_225 : vector<1024xf32> to vector<1x1024xf32>
    %dot_general3A_227 = arith.constant dense<0.000000e+00> : vector<500x1024xf32>
    %dot_general3A_228 = tpu.matmul %sub3A_216, %get3A_221, %dot_general3A_227 {dimension_numbers = #tpu.dot_dimension_numbers<[1], [1], [0], [0], [0, 0, 1, 0], [], []>, transpose_lhs_hint = false} : vector<500x256xf32>, vector<1024x256xf32>, vector<500x1024xf32> -> vector<500x1024xf32>
    %mul3A_229 = arith.mulf %sub3A_216, %sub3A_216 : vector<500x256xf32>
    %reduce_sum3A_230 = arith.constant dense<0.000000e+00> : vector<500xf32>
    %reduce_sum3A_231 = vector.multi_reduction <add>, %mul3A_229, %reduce_sum3A_230 [1] : vector<500x256xf32> to vector<500xf32>
    %broadcast_in_dim3A_232 = vector.shape_cast %reduce_sum3A_231 : vector<500xf32> to vector<500x1xf32>
    %mul3A_233 = arith.constant 2.000000e+00 : f32
    %mul3A_234 = vector.broadcast %mul3A_233 : f32 to vector<500x1024xf32>
    %mul3A_235 = arith.mulf %mul3A_234, %dot_general3A_228 : vector<500x1024xf32>
    %sub3A_236 = vector.broadcast %broadcast_in_dim3A_232 : vector<500x1xf32> to vector<500x1024xf32>
    %sub3A_237 = arith.subf %sub3A_236, %mul3A_235 : vector<500x1024xf32>
    %add3A_238 = vector.broadcast %broadcast_in_dim3A_226 : vector<1x1024xf32> to vector<500x1024xf32>
    %add3A_239 = arith.addf %sub3A_237, %add3A_238 : vector<500x1024xf32>
    %reduce_min3A_240 = arith.constant dense<0x7F800000> : vector<500xf32>
    %reduce_min3A_241 = vector.multi_reduction <minimumf>, %add3A_239, %reduce_min3A_240 [1] : vector<500x1024xf32> to vector<500xf32>
    %broadcast_in_dim3A_242 = vector.shape_cast %reduce_min3A_241 : vector<500xf32> to vector<500x1xf32>
    %iota3A_243 = tpu.iota {dimensions = array<i32: 1>} : vector<500x1024xi32>
    %eq3A_244 = vector.broadcast %broadcast_in_dim3A_242 : vector<500x1xf32> to vector<500x1024xf32>
    %eq3A_245 = arith.cmpf oeq, %add3A_239, %eq3A_244 : vector<500x1024xf32>
    %jit3A_246 = arith.constant 1024 : i32
    %broadcast_in_dim3A_247 = vector.broadcast %jit3A_246 : i32 to vector<500x1024xi32>
    %select_n3A_248 = arith.select %eq3A_245, %iota3A_243, %broadcast_in_dim3A_247 : vector<500x1024xi1>, vector<500x1024xi32>
    %reduce_min3A_249 = arith.constant dense<2147483647> : vector<500xi32>
    %reduce_min3A_250 = vector.multi_reduction <minsi>, %select_n3A_248, %reduce_min3A_249 [1] : vector<500x1024xi32> to vector<500xi32>
    %broadcast_in_dim3A_251 = vector.shape_cast %reduce_min3A_250 : vector<500xi32> to vector<500x1xi32>
    %eq3A_252 = vector.broadcast %broadcast_in_dim3A_251 : vector<500x1xi32> to vector<500x1024xi32>
    %eq3A_253 = arith.cmpi eq, %iota3A_243, %eq3A_252 : vector<500x1024xi32>
    %convert_element_type3A_254 = arith.extui %eq3A_253 : vector<500x1024xi1> to vector<500x1024xi32>
    %convert_element_type3A_255 = arith.sitofp %convert_element_type3A_254 : vector<500x1024xi32> to vector<500x1024xf32>
    %dot_general3A_256 = arith.constant dense<0.000000e+00> : vector<500x256xf32>
    %dot_general3A_257 = tpu.matmul %convert_element_type3A_255, %get3A_221, %dot_general3A_256 {dimension_numbers = #tpu.dot_dimension_numbers<[1], [0], [0], [1], [0, 0, 1, 1], [], []>, transpose_lhs_hint = false} : vector<500x1024xf32>, vector<1024x256xf32>, vector<500x256xf32> -> vector<500x256xf32>
    %add3A_258 = arith.addf %add3A_215, %dot_general3A_257 : vector<500x256xf32>
    %sub3A_259 = arith.subf %sub3A_216, %dot_general3A_257 : vector<500x256xf32>
    %get3A_260 = arith.constant 4 : index
    %get3A_261 = arith.constant 0 : index
    %get3A_262 = arith.constant 0 : index
    %get3A_263 = vector.load %arg15[%get3A_260, %get3A_261, %get3A_262] : memref<8x1024x256xf32, #tpu.memory_space<vmem>>, vector<1x1024x256xf32>
    %get3A_264 = vector.shape_cast %get3A_263 : vector<1x1024x256xf32> to vector<1024x256xf32>
    %get3A_265 = arith.constant 4 : index
    %get3A_266 = arith.constant 0 : index
    %get3A_267 = vector.load %arg23[%get3A_265, %get3A_266] : memref<8x1024xf32, #tpu.memory_space<vmem>>, vector<1x1024xf32>
    %get3A_268 = vector.shape_cast %get3A_267 : vector<1x1024xf32> to vector<1024xf32>
    %broadcast_in_dim3A_269 = vector.shape_cast %get3A_268 : vector<1024xf32> to vector<1x1024xf32>
    %dot_general3A_270 = arith.constant dense<0.000000e+00> : vector<500x1024xf32>
    %dot_general3A_271 = tpu.matmul %sub3A_259, %get3A_264, %dot_general3A_270 {dimension_numbers = #tpu.dot_dimension_numbers<[1], [1], [0], [0], [0, 0, 1, 0], [], []>, transpose_lhs_hint = false} : vector<500x256xf32>, vector<1024x256xf32>, vector<500x1024xf32> -> vector<500x1024xf32>
    %mul3A_272 = arith.mulf %sub3A_259, %sub3A_259 : vector<500x256xf32>
    %reduce_sum3A_273 = arith.constant dense<0.000000e+00> : vector<500xf32>
    %reduce_sum3A_274 = vector.multi_reduction <add>, %mul3A_272, %reduce_sum3A_273 [1] : vector<500x256xf32> to vector<500xf32>
    %broadcast_in_dim3A_275 = vector.shape_cast %reduce_sum3A_274 : vector<500xf32> to vector<500x1xf32>
    %mul3A_276 = arith.constant 2.000000e+00 : f32
    %mul3A_277 = vector.broadcast %mul3A_276 : f32 to vector<500x1024xf32>
    %mul3A_278 = arith.mulf %mul3A_277, %dot_general3A_271 : vector<500x1024xf32>
    %sub3A_279 = vector.broadcast %broadcast_in_dim3A_275 : vector<500x1xf32> to vector<500x1024xf32>
    %sub3A_280 = arith.subf %sub3A_279, %mul3A_278 : vector<500x1024xf32>
    %add3A_281 = vector.broadcast %broadcast_in_dim3A_269 : vector<1x1024xf32> to vector<500x1024xf32>
    %add3A_282 = arith.addf %sub3A_280, %add3A_281 : vector<500x1024xf32>
    %reduce_min3A_283 = arith.constant dense<0x7F800000> : vector<500xf32>
    %reduce_min3A_284 = vector.multi_reduction <minimumf>, %add3A_282, %reduce_min3A_283 [1] : vector<500x1024xf32> to vector<500xf32>
    %broadcast_in_dim3A_285 = vector.shape_cast %reduce_min3A_284 : vector<500xf32> to vector<500x1xf32>
    %iota3A_286 = tpu.iota {dimensions = array<i32: 1>} : vector<500x1024xi32>
    %eq3A_287 = vector.broadcast %broadcast_in_dim3A_285 : vector<500x1xf32> to vector<500x1024xf32>
    %eq3A_288 = arith.cmpf oeq, %add3A_282, %eq3A_287 : vector<500x1024xf32>
    %jit3A_289 = arith.constant 1024 : i32
    %broadcast_in_dim3A_290 = vector.broadcast %jit3A_289 : i32 to vector<500x1024xi32>
    %select_n3A_291 = arith.select %eq3A_288, %iota3A_286, %broadcast_in_dim3A_290 : vector<500x1024xi1>, vector<500x1024xi32>
    %reduce_min3A_292 = arith.constant dense<2147483647> : vector<500xi32>
    %reduce_min3A_293 = vector.multi_reduction <minsi>, %select_n3A_291, %reduce_min3A_292 [1] : vector<500x1024xi32> to vector<500xi32>
    %broadcast_in_dim3A_294 = vector.shape_cast %reduce_min3A_293 : vector<500xi32> to vector<500x1xi32>
    %eq3A_295 = vector.broadcast %broadcast_in_dim3A_294 : vector<500x1xi32> to vector<500x1024xi32>
    %eq3A_296 = arith.cmpi eq, %iota3A_286, %eq3A_295 : vector<500x1024xi32>
    %convert_element_type3A_297 = arith.extui %eq3A_296 : vector<500x1024xi1> to vector<500x1024xi32>
    %convert_element_type3A_298 = arith.sitofp %convert_element_type3A_297 : vector<500x1024xi32> to vector<500x1024xf32>
    %dot_general3A_299 = arith.constant dense<0.000000e+00> : vector<500x256xf32>
    %dot_general3A_300 = tpu.matmul %convert_element_type3A_298, %get3A_264, %dot_general3A_299 {dimension_numbers = #tpu.dot_dimension_numbers<[1], [0], [0], [1], [0, 0, 1, 1], [], []>, transpose_lhs_hint = false} : vector<500x1024xf32>, vector<1024x256xf32>, vector<500x256xf32> -> vector<500x256xf32>
    %add3A_301 = arith.addf %add3A_258, %dot_general3A_300 : vector<500x256xf32>
    %sub3A_302 = arith.subf %sub3A_259, %dot_general3A_300 : vector<500x256xf32>
    %get3A_303 = arith.constant 5 : index
    %get3A_304 = arith.constant 0 : index
    %get3A_305 = arith.constant 0 : index
    %get3A_306 = vector.load %arg15[%get3A_303, %get3A_304, %get3A_305] : memref<8x1024x256xf32, #tpu.memory_space<vmem>>, vector<1x1024x256xf32>
    %get3A_307 = vector.shape_cast %get3A_306 : vector<1x1024x256xf32> to vector<1024x256xf32>
    %get3A_308 = arith.constant 5 : index
    %get3A_309 = arith.constant 0 : index
    %get3A_310 = vector.load %arg23[%get3A_308, %get3A_309] : memref<8x1024xf32, #tpu.memory_space<vmem>>, vector<1x1024xf32>
    %get3A_311 = vector.shape_cast %get3A_310 : vector<1x1024xf32> to vector<1024xf32>
    %broadcast_in_dim3A_312 = vector.shape_cast %get3A_311 : vector<1024xf32> to vector<1x1024xf32>
    %dot_general3A_313 = arith.constant dense<0.000000e+00> : vector<500x1024xf32>
    %dot_general3A_314 = tpu.matmul %sub3A_302, %get3A_307, %dot_general3A_313 {dimension_numbers = #tpu.dot_dimension_numbers<[1], [1], [0], [0], [0, 0, 1, 0], [], []>, transpose_lhs_hint = false} : vector<500x256xf32>, vector<1024x256xf32>, vector<500x1024xf32> -> vector<500x1024xf32>
    %mul3A_315 = arith.mulf %sub3A_302, %sub3A_302 : vector<500x256xf32>
    %reduce_sum3A_316 = arith.constant dense<0.000000e+00> : vector<500xf32>
    %reduce_sum3A_317 = vector.multi_reduction <add>, %mul3A_315, %reduce_sum3A_316 [1] : vector<500x256xf32> to vector<500xf32>
    %broadcast_in_dim3A_318 = vector.shape_cast %reduce_sum3A_317 : vector<500xf32> to vector<500x1xf32>
    %mul3A_319 = arith.constant 2.000000e+00 : f32
    %mul3A_320 = vector.broadcast %mul3A_319 : f32 to vector<500x1024xf32>
    %mul3A_321 = arith.mulf %mul3A_320, %dot_general3A_314 : vector<500x1024xf32>
    %sub3A_322 = vector.broadcast %broadcast_in_dim3A_318 : vector<500x1xf32> to vector<500x1024xf32>
    %sub3A_323 = arith.subf %sub3A_322, %mul3A_321 : vector<500x1024xf32>
    %add3A_324 = vector.broadcast %broadcast_in_dim3A_312 : vector<1x1024xf32> to vector<500x1024xf32>
    %add3A_325 = arith.addf %sub3A_323, %add3A_324 : vector<500x1024xf32>
    %reduce_min3A_326 = arith.constant dense<0x7F800000> : vector<500xf32>
    %reduce_min3A_327 = vector.multi_reduction <minimumf>, %add3A_325, %reduce_min3A_326 [1] : vector<500x1024xf32> to vector<500xf32>
    %broadcast_in_dim3A_328 = vector.shape_cast %reduce_min3A_327 : vector<500xf32> to vector<500x1xf32>
    %iota3A_329 = tpu.iota {dimensions = array<i32: 1>} : vector<500x1024xi32>
    %eq3A_330 = vector.broadcast %broadcast_in_dim3A_328 : vector<500x1xf32> to vector<500x1024xf32>
    %eq3A_331 = arith.cmpf oeq, %add3A_325, %eq3A_330 : vector<500x1024xf32>
    %jit3A_332 = arith.constant 1024 : i32
    %broadcast_in_dim3A_333 = vector.broadcast %jit3A_332 : i32 to vector<500x1024xi32>
    %select_n3A_334 = arith.select %eq3A_331, %iota3A_329, %broadcast_in_dim3A_333 : vector<500x1024xi1>, vector<500x1024xi32>
    %reduce_min3A_335 = arith.constant dense<2147483647> : vector<500xi32>
    %reduce_min3A_336 = vector.multi_reduction <minsi>, %select_n3A_334, %reduce_min3A_335 [1] : vector<500x1024xi32> to vector<500xi32>
    %broadcast_in_dim3A_337 = vector.shape_cast %reduce_min3A_336 : vector<500xi32> to vector<500x1xi32>
    %eq3A_338 = vector.broadcast %broadcast_in_dim3A_337 : vector<500x1xi32> to vector<500x1024xi32>
    %eq3A_339 = arith.cmpi eq, %iota3A_329, %eq3A_338 : vector<500x1024xi32>
    %convert_element_type3A_340 = arith.extui %eq3A_339 : vector<500x1024xi1> to vector<500x1024xi32>
    %convert_element_type3A_341 = arith.sitofp %convert_element_type3A_340 : vector<500x1024xi32> to vector<500x1024xf32>
    %dot_general3A_342 = arith.constant dense<0.000000e+00> : vector<500x256xf32>
    %dot_general3A_343 = tpu.matmul %convert_element_type3A_341, %get3A_307, %dot_general3A_342 {dimension_numbers = #tpu.dot_dimension_numbers<[1], [0], [0], [1], [0, 0, 1, 1], [], []>, transpose_lhs_hint = false} : vector<500x1024xf32>, vector<1024x256xf32>, vector<500x256xf32> -> vector<500x256xf32>
    %add3A_344 = arith.addf %add3A_301, %dot_general3A_343 : vector<500x256xf32>
    %sub3A_345 = arith.subf %sub3A_302, %dot_general3A_343 : vector<500x256xf32>
    %get3A_346 = arith.constant 6 : index
    %get3A_347 = arith.constant 0 : index
    %get3A_348 = arith.constant 0 : index
    %get3A_349 = vector.load %arg15[%get3A_346, %get3A_347, %get3A_348] : memref<8x1024x256xf32, #tpu.memory_space<vmem>>, vector<1x1024x256xf32>
    %get3A_350 = vector.shape_cast %get3A_349 : vector<1x1024x256xf32> to vector<1024x256xf32>
    %get3A_351 = arith.constant 6 : index
    %get3A_352 = arith.constant 0 : index
    %get3A_353 = vector.load %arg23[%get3A_351, %get3A_352] : memref<8x1024xf32, #tpu.memory_space<vmem>>, vector<1x1024xf32>
    %get3A_354 = vector.shape_cast %get3A_353 : vector<1x1024xf32> to vector<1024xf32>
    %broadcast_in_dim3A_355 = vector.shape_cast %get3A_354 : vector<1024xf32> to vector<1x1024xf32>
    %dot_general3A_356 = arith.constant dense<0.000000e+00> : vector<500x1024xf32>
    %dot_general3A_357 = tpu.matmul %sub3A_345, %get3A_350, %dot_general3A_356 {dimension_numbers = #tpu.dot_dimension_numbers<[1], [1], [0], [0], [0, 0, 1, 0], [], []>, transpose_lhs_hint = false} : vector<500x256xf32>, vector<1024x256xf32>, vector<500x1024xf32> -> vector<500x1024xf32>
    %mul3A_358 = arith.mulf %sub3A_345, %sub3A_345 : vector<500x256xf32>
    %reduce_sum3A_359 = arith.constant dense<0.000000e+00> : vector<500xf32>
    %reduce_sum3A_360 = vector.multi_reduction <add>, %mul3A_358, %reduce_sum3A_359 [1] : vector<500x256xf32> to vector<500xf32>
    %broadcast_in_dim3A_361 = vector.shape_cast %reduce_sum3A_360 : vector<500xf32> to vector<500x1xf32>
    %mul3A_362 = arith.constant 2.000000e+00 : f32
    %mul3A_363 = vector.broadcast %mul3A_362 : f32 to vector<500x1024xf32>
    %mul3A_364 = arith.mulf %mul3A_363, %dot_general3A_357 : vector<500x1024xf32>
    %sub3A_365 = vector.broadcast %broadcast_in_dim3A_361 : vector<500x1xf32> to vector<500x1024xf32>
    %sub3A_366 = arith.subf %sub3A_365, %mul3A_364 : vector<500x1024xf32>
    %add3A_367 = vector.broadcast %broadcast_in_dim3A_355 : vector<1x1024xf32> to vector<500x1024xf32>
    %add3A_368 = arith.addf %sub3A_366, %add3A_367 : vector<500x1024xf32>
    %reduce_min3A_369 = arith.constant dense<0x7F800000> : vector<500xf32>
    %reduce_min3A_370 = vector.multi_reduction <minimumf>, %add3A_368, %reduce_min3A_369 [1] : vector<500x1024xf32> to vector<500xf32>
    %broadcast_in_dim3A_371 = vector.shape_cast %reduce_min3A_370 : vector<500xf32> to vector<500x1xf32>
    %iota3A_372 = tpu.iota {dimensions = array<i32: 1>} : vector<500x1024xi32>
    %eq3A_373 = vector.broadcast %broadcast_in_dim3A_371 : vector<500x1xf32> to vector<500x1024xf32>
    %eq3A_374 = arith.cmpf oeq, %add3A_368, %eq3A_373 : vector<500x1024xf32>
    %jit3A_375 = arith.constant 1024 : i32
    %broadcast_in_dim3A_376 = vector.broadcast %jit3A_375 : i32 to vector<500x1024xi32>
    %select_n3A_377 = arith.select %eq3A_374, %iota3A_372, %broadcast_in_dim3A_376 : vector<500x1024xi1>, vector<500x1024xi32>
    %reduce_min3A_378 = arith.constant dense<2147483647> : vector<500xi32>
    %reduce_min3A_379 = vector.multi_reduction <minsi>, %select_n3A_377, %reduce_min3A_378 [1] : vector<500x1024xi32> to vector<500xi32>
    %broadcast_in_dim3A_380 = vector.shape_cast %reduce_min3A_379 : vector<500xi32> to vector<500x1xi32>
    %eq3A_381 = vector.broadcast %broadcast_in_dim3A_380 : vector<500x1xi32> to vector<500x1024xi32>
    %eq3A_382 = arith.cmpi eq, %iota3A_372, %eq3A_381 : vector<500x1024xi32>
    %convert_element_type3A_383 = arith.extui %eq3A_382 : vector<500x1024xi1> to vector<500x1024xi32>
    %convert_element_type3A_384 = arith.sitofp %convert_element_type3A_383 : vector<500x1024xi32> to vector<500x1024xf32>
    %dot_general3A_385 = arith.constant dense<0.000000e+00> : vector<500x256xf32>
    %dot_general3A_386 = tpu.matmul %convert_element_type3A_384, %get3A_350, %dot_general3A_385 {dimension_numbers = #tpu.dot_dimension_numbers<[1], [0], [0], [1], [0, 0, 1, 1], [], []>, transpose_lhs_hint = false} : vector<500x1024xf32>, vector<1024x256xf32>, vector<500x256xf32> -> vector<500x256xf32>
    %add3A_387 = arith.addf %add3A_344, %dot_general3A_386 : vector<500x256xf32>
    %sub3A_388 = arith.subf %sub3A_345, %dot_general3A_386 : vector<500x256xf32>
    %get3A_389 = arith.constant 7 : index
    %get3A_390 = arith.constant 0 : index
    %get3A_391 = arith.constant 0 : index
    %get3A_392 = vector.load %arg15[%get3A_389, %get3A_390, %get3A_391] : memref<8x1024x256xf32, #tpu.memory_space<vmem>>, vector<1x1024x256xf32>
    %get3A_393 = vector.shape_cast %get3A_392 : vector<1x1024x256xf32> to vector<1024x256xf32>
    %get3A_394 = arith.constant 7 : index
    %get3A_395 = arith.constant 0 : index
    %get3A_396 = vector.load %arg23[%get3A_394, %get3A_395] : memref<8x1024xf32, #tpu.memory_space<vmem>>, vector<1x1024xf32>
    %get3A_397 = vector.shape_cast %get3A_396 : vector<1x1024xf32> to vector<1024xf32>
    %broadcast_in_dim3A_398 = vector.shape_cast %get3A_397 : vector<1024xf32> to vector<1x1024xf32>
    %dot_general3A_399 = arith.constant dense<0.000000e+00> : vector<500x1024xf32>
    %dot_general3A_400 = tpu.matmul %sub3A_388, %get3A_393, %dot_general3A_399 {dimension_numbers = #tpu.dot_dimension_numbers<[1], [1], [0], [0], [0, 0, 1, 0], [], []>, transpose_lhs_hint = false} : vector<500x256xf32>, vector<1024x256xf32>, vector<500x1024xf32> -> vector<500x1024xf32>
    %mul3A_401 = arith.mulf %sub3A_388, %sub3A_388 : vector<500x256xf32>
    %reduce_sum3A_402 = arith.constant dense<0.000000e+00> : vector<500xf32>
    %reduce_sum3A_403 = vector.multi_reduction <add>, %mul3A_401, %reduce_sum3A_402 [1] : vector<500x256xf32> to vector<500xf32>
    %broadcast_in_dim3A_404 = vector.shape_cast %reduce_sum3A_403 : vector<500xf32> to vector<500x1xf32>
    %mul3A_405 = arith.constant 2.000000e+00 : f32
    %mul3A_406 = vector.broadcast %mul3A_405 : f32 to vector<500x1024xf32>
    %mul3A_407 = arith.mulf %mul3A_406, %dot_general3A_400 : vector<500x1024xf32>
    %sub3A_408 = vector.broadcast %broadcast_in_dim3A_404 : vector<500x1xf32> to vector<500x1024xf32>
    %sub3A_409 = arith.subf %sub3A_408, %mul3A_407 : vector<500x1024xf32>
    %add3A_410 = vector.broadcast %broadcast_in_dim3A_398 : vector<1x1024xf32> to vector<500x1024xf32>
    %add3A_411 = arith.addf %sub3A_409, %add3A_410 : vector<500x1024xf32>
    %reduce_min3A_412 = arith.constant dense<0x7F800000> : vector<500xf32>
    %reduce_min3A_413 = vector.multi_reduction <minimumf>, %add3A_411, %reduce_min3A_412 [1] : vector<500x1024xf32> to vector<500xf32>
    %broadcast_in_dim3A_414 = vector.shape_cast %reduce_min3A_413 : vector<500xf32> to vector<500x1xf32>
    %iota3A_415 = tpu.iota {dimensions = array<i32: 1>} : vector<500x1024xi32>
    %eq3A_416 = vector.broadcast %broadcast_in_dim3A_414 : vector<500x1xf32> to vector<500x1024xf32>
    %eq3A_417 = arith.cmpf oeq, %add3A_411, %eq3A_416 : vector<500x1024xf32>
    %jit3A_418 = arith.constant 1024 : i32
    %broadcast_in_dim3A_419 = vector.broadcast %jit3A_418 : i32 to vector<500x1024xi32>
    %select_n3A_420 = arith.select %eq3A_417, %iota3A_415, %broadcast_in_dim3A_419 : vector<500x1024xi1>, vector<500x1024xi32>
    %reduce_min3A_421 = arith.constant dense<2147483647> : vector<500xi32>
    %reduce_min3A_422 = vector.multi_reduction <minsi>, %select_n3A_420, %reduce_min3A_421 [1] : vector<500x1024xi32> to vector<500xi32>
    %broadcast_in_dim3A_423 = vector.shape_cast %reduce_min3A_422 : vector<500xi32> to vector<500x1xi32>
    %eq3A_424 = vector.broadcast %broadcast_in_dim3A_423 : vector<500x1xi32> to vector<500x1024xi32>
    %eq3A_425 = arith.cmpi eq, %iota3A_415, %eq3A_424 : vector<500x1024xi32>
    %convert_element_type3A_426 = arith.extui %eq3A_425 : vector<500x1024xi1> to vector<500x1024xi32>
    %convert_element_type3A_427 = arith.sitofp %convert_element_type3A_426 : vector<500x1024xi32> to vector<500x1024xf32>
    %dot_general3A_428 = arith.constant dense<0.000000e+00> : vector<500x256xf32>
    %dot_general3A_429 = tpu.matmul %convert_element_type3A_427, %get3A_393, %dot_general3A_428 {dimension_numbers = #tpu.dot_dimension_numbers<[1], [0], [0], [1], [0, 0, 1, 1], [], []>, transpose_lhs_hint = false} : vector<500x1024xf32>, vector<1024x256xf32>, vector<500x256xf32> -> vector<500x256xf32>
    %add3A_430 = arith.addf %add3A_387, %dot_general3A_429 : vector<500x256xf32>
    %sub3A_431 = arith.subf %add3A_430, %div3A : vector<500x256xf32>
    %add3A_432 = arith.addf %div3A, %sub3A_431 : vector<500x256xf32>
    %mul3A_433 = arith.mulf %add3A_432, %max3A_87 : vector<500x256xf32>
    %get3A_434 = arith.constant 0 : index
    %get3A_435 = arith.constant 0 : index
    %get3A_436 = vector.load %arg16[%get3A_434, %get3A_435] : memref<256x512xf32, #tpu.memory_space<vmem>>, vector<256x512xf32>
    %get3A_437 = arith.constant 0 : index
    %get3A_438 = arith.constant 0 : index
    %get3A_439 = vector.load %arg17[%get3A_437, %get3A_438] : memref<1x512xf32, #tpu.memory_space<vmem>>, vector<1x512xf32>
    %get3A_440 = arith.constant 0 : index
    %get3A_441 = arith.constant 0 : index
    %get3A_442 = vector.load %arg18[%get3A_440, %get3A_441] : memref<512x512xf32, #tpu.memory_space<vmem>>, vector<512x512xf32>
    %get3A_443 = arith.constant 0 : index
    %get3A_444 = arith.constant 0 : index
    %get3A_445 = vector.load %arg19[%get3A_443, %get3A_444] : memref<1x512xf32, #tpu.memory_space<vmem>>, vector<1x512xf32>
    %get3A_446 = arith.constant 0 : index
    %get3A_447 = arith.constant 0 : index
    %get3A_448 = vector.load %arg20[%get3A_446, %get3A_447] : memref<512x1024xf32, #tpu.memory_space<vmem>>, vector<512x1024xf32>
    %get3A_449 = arith.constant 0 : index
    %get3A_450 = arith.constant 0 : index
    %get3A_451 = vector.load %arg21[%get3A_449, %get3A_450] : memref<1x1024xf32, #tpu.memory_space<vmem>>, vector<1x1024xf32>
    %dot_general3A_452 = arith.constant dense<0.000000e+00> : vector<500x512xf32>
    %dot_general3A_453 = tpu.matmul %mul3A_433, %get3A_436, %dot_general3A_452 {dimension_numbers = #tpu.dot_dimension_numbers<[1], [0], [0], [1], [0, 0, 1, 1], [], []>, transpose_lhs_hint = false} : vector<500x256xf32>, vector<256x512xf32>, vector<500x512xf32> -> vector<500x512xf32>
    %add3A_454 = vector.broadcast %get3A_439 : vector<1x512xf32> to vector<500x512xf32>
    %add3A_455 = arith.addf %dot_general3A_453, %add3A_454 : vector<500x512xf32>
    %ge3A_456 = arith.constant 0.000000e+00 : f32
    %ge3A_457 = vector.broadcast %ge3A_456 : f32 to vector<500x512xf32>
    %ge3A_458 = arith.cmpf oge, %add3A_455, %ge3A_457 : vector<500x512xf32>
    %mul3A_459 = arith.constant 0.00999999977 : f32
    %mul3A_460 = vector.broadcast %mul3A_459 : f32 to vector<500x512xf32>
    %mul3A_461 = arith.mulf %mul3A_460, %add3A_455 : vector<500x512xf32>
    %select_n3A_462 = arith.select %ge3A_458, %add3A_455, %mul3A_461 : vector<500x512xi1>, vector<500x512xf32>
    %dot_general3A_463 = arith.constant dense<0.000000e+00> : vector<500x512xf32>
    %dot_general3A_464 = tpu.matmul %select_n3A_462, %get3A_442, %dot_general3A_463 {dimension_numbers = #tpu.dot_dimension_numbers<[1], [0], [0], [1], [0, 0, 1, 1], [], []>, transpose_lhs_hint = false} : vector<500x512xf32>, vector<512x512xf32>, vector<500x512xf32> -> vector<500x512xf32>
    %add3A_465 = vector.broadcast %get3A_445 : vector<1x512xf32> to vector<500x512xf32>
    %add3A_466 = arith.addf %dot_general3A_464, %add3A_465 : vector<500x512xf32>
    %ge3A_467 = arith.constant 0.000000e+00 : f32
    %ge3A_468 = vector.broadcast %ge3A_467 : f32 to vector<500x512xf32>
    %ge3A_469 = arith.cmpf oge, %add3A_466, %ge3A_468 : vector<500x512xf32>
    %mul3A_470 = arith.constant 0.00999999977 : f32
    %mul3A_471 = vector.broadcast %mul3A_470 : f32 to vector<500x512xf32>
    %mul3A_472 = arith.mulf %mul3A_471, %add3A_466 : vector<500x512xf32>
    %select_n3A_473 = arith.select %ge3A_469, %add3A_466, %mul3A_472 : vector<500x512xi1>, vector<500x512xf32>
    %dot_general3A_474 = arith.constant dense<0.000000e+00> : vector<500x1024xf32>
    %dot_general3A_475 = tpu.matmul %select_n3A_473, %get3A_448, %dot_general3A_474 {dimension_numbers = #tpu.dot_dimension_numbers<[1], [0], [0], [1], [0, 0, 1, 1], [], []>, transpose_lhs_hint = false} : vector<500x512xf32>, vector<512x1024xf32>, vector<500x1024xf32> -> vector<500x1024xf32>
    %add3A_476 = vector.broadcast %get3A_451 : vector<1x1024xf32> to vector<500x1024xf32>
    %add3A_477 = arith.addf %dot_general3A_475, %add3A_476 : vector<500x1024xf32>
    %add3A_478 = arith.addf %slice3A, %add3A_477 : vector<500x1024xf32>
    %transpose3A_479 = tpu.transpose %add3A_478, [1, 0] : vector<500x1024xf32> -> vector<1024x500xf32>
    %swap3A = arith.constant 0 : index
    %swap3A_480 = arith.constant 0 : index
    %swap3A_481 = arith.constant 0 : index
    %swap3A_482 = vector.load %arg22[%swap3A, %swap3A_480, %swap3A_481] : memref<1x1024x500xf32, #tpu.memory_space<vmem>>, vector<1x1024x500xf32>
    %swap3A_483 = vector.shape_cast %swap3A_482 : vector<1x1024x500xf32> to vector<1024x500xf32>
    %swap3A_484 = vector.shape_cast %transpose3A_479 : vector<1024x500xf32> to vector<1x1024x500xf32>
    tpu.vector_store %arg22[%swap3A, %swap3A_480, %swap3A_481], %swap3A_484 {strides = array<i32>} : memref<1x1024x500xf32, #tpu.memory_space<vmem>>, vector<1x1024x500xf32>,
    return
  }
  func.func @transform_0(%arg0: i32) -> (i32, i32, i32) {
    %c0_i32 = arith.constant 0 : i32
    %c0_i32_0 = arith.constant 0 : i32
    %c0_i32_1 = arith.constant 0 : i32
    return %arg0, %c0_i32, %c0_i32_0 : i32, i32, i32
  }
  func.func @transform_1(%arg0: i32) -> (i32, i32, i32) {
    %c0_i32 = arith.constant 0 : i32
    %c0_i32_0 = arith.constant 0 : i32
    %c0_i32_1 = arith.constant 0 : i32
    return %arg0, %c0_i32, %c0_i32_0 : i32, i32, i32
  }
  func.func @transform_2(%arg0: i32) -> (i32, i32) {
    %c0_i32 = arith.constant 0 : i32
    %c0_i32_0 = arith.constant 0 : i32
    %c0_i32_1 = arith.constant 0 : i32
    return %c0_i32, %c0_i32_0 : i32, i32
  }
  func.func @transform_3(%arg0: i32) -> (i32, i32) {
    %c0_i32 = arith.constant 0 : i32
    %c0_i32_0 = arith.constant 0 : i32
    %c0_i32_1 = arith.constant 0 : i32
    return %c0_i32, %c0_i32_0 : i32, i32
  }
  func.func @transform_4(%arg0: i32) -> (i32, i32) {
    %c0_i32 = arith.constant 0 : i32
    %c0_i32_0 = arith.constant 0 : i32
    %c0_i32_1 = arith.constant 0 : i32
    return %c0_i32, %c0_i32_0 : i32, i32
  }
  func.func @transform_5(%arg0: i32) -> (i32, i32) {
    %c0_i32 = arith.constant 0 : i32
    %c0_i32_0 = arith.constant 0 : i32
    %c0_i32_1 = arith.constant 0 : i32
    return %c0_i32, %c0_i32_0 : i32, i32
  }
  func.func @transform_6(%arg0: i32) -> (i32, i32) {
    %c0_i32 = arith.constant 0 : i32
    %c0_i32_0 = arith.constant 0 : i32
    %c0_i32_1 = arith.constant 0 : i32
    return %c0_i32, %c0_i32_0 : i32, i32
  }
  func.func @transform_7(%arg0: i32) -> (i32, i32) {
    %c0_i32 = arith.constant 0 : i32
    %c0_i32_0 = arith.constant 0 : i32
    %c0_i32_1 = arith.constant 0 : i32
    return %c0_i32, %c0_i32_0 : i32, i32
  }
  func.func @transform_8(%arg0: i32) -> (i32, i32) {
    %c0_i32 = arith.constant 0 : i32
    %c0_i32_0 = arith.constant 0 : i32
    %c0_i32_1 = arith.constant 0 : i32
    return %c0_i32, %c0_i32_0 : i32, i32
  }
  func.func @transform_9(%arg0: i32) -> (i32, i32) {
    %c0_i32 = arith.constant 0 : i32
    %c0_i32_0 = arith.constant 0 : i32
    %c0_i32_1 = arith.constant 0 : i32
    return %c0_i32, %c0_i32_0 : i32, i32
  }
  func.func @transform_10(%arg0: i32) -> (i32, i32) {
    %c0_i32 = arith.constant 0 : i32
    %c0_i32_0 = arith.constant 0 : i32
    %c0_i32_1 = arith.constant 0 : i32
    return %c0_i32, %c0_i32_0 : i32, i32
  }
  func.func @transform_11(%arg0: i32) -> (i32, i32) {
    %c0_i32 = arith.constant 0 : i32
    %c0_i32_0 = arith.constant 0 : i32
    %c0_i32_1 = arith.constant 0 : i32
    return %c0_i32, %c0_i32_0 : i32, i32
  }
  func.func @transform_12(%arg0: i32) -> (i32, i32) {
    %c0_i32 = arith.constant 0 : i32
    %c0_i32_0 = arith.constant 0 : i32
    %c0_i32_1 = arith.constant 0 : i32
    return %c0_i32, %c0_i32_0 : i32, i32
  }
  func.func @transform_13(%arg0: i32) -> (i32, i32) {
    %c0_i32 = arith.constant 0 : i32
    %c0_i32_0 = arith.constant 0 : i32
    %c0_i32_1 = arith.constant 0 : i32
    return %c0_i32, %c0_i32_0 : i32, i32
  }
  func.func @transform_14(%arg0: i32) -> (i32, i32, i32) {
    %c0_i32 = arith.constant 0 : i32
    %c0_i32_0 = arith.constant 0 : i32
    %c0_i32_1 = arith.constant 0 : i32
    %c0_i32_2 = arith.constant 0 : i32
    return %c0_i32, %c0_i32_0, %c0_i32_1 : i32, i32, i32
  }
  func.func @transform_15(%arg0: i32) -> (i32, i32) {
    %c0_i32 = arith.constant 0 : i32
    %c0_i32_0 = arith.constant 0 : i32
    %c0_i32_1 = arith.constant 0 : i32
    return %c0_i32, %c0_i32_0 : i32, i32
  }
  func.func @transform_16(%arg0: i32) -> (i32, i32) {
    %c0_i32 = arith.constant 0 : i32
    %c0_i32_0 = arith.constant 0 : i32
    %c0_i32_1 = arith.constant 0 : i32
    return %c0_i32, %c0_i32_0 : i32, i32
  }
  func.func @transform_17(%arg0: i32) -> (i32, i32) {
    %c0_i32 = arith.constant 0 : i32
    %c0_i32_0 = arith.constant 0 : i32
    %c0_i32_1 = arith.constant 0 : i32
    return %c0_i32, %c0_i32_0 : i32, i32
  }
  func.func @transform_18(%arg0: i32) -> (i32, i32) {
    %c0_i32 = arith.constant 0 : i32
    %c0_i32_0 = arith.constant 0 : i32
    %c0_i32_1 = arith.constant 0 : i32
    return %c0_i32, %c0_i32_0 : i32, i32
  }
  func.func @transform_19(%arg0: i32) -> (i32, i32) {
    %c0_i32 = arith.constant 0 : i32
    %c0_i32_0 = arith.constant 0 : i32
    %c0_i32_1 = arith.constant 0 : i32
    return %c0_i32, %c0_i32_0 : i32, i32
  }
  func.func @transform_20(%arg0: i32) -> (i32, i32) {
    %c0_i32 = arith.constant 0 : i32
    %c0_i32_0 = arith.constant 0 : i32
    %c0_i32_1 = arith.constant 0 : i32
    return %c0_i32, %c0_i32_0 : i32, i32
  }
  func.func @transform_21(%arg0: i32) -> (i32, i32, i32) {
    %c0_i32 = arith.constant 0 : i32
    %c0_i32_0 = arith.constant 0 : i32
    %c0_i32_1 = arith.constant 0 : i32
    return %arg0, %c0_i32, %c0_i32_0 : i32, i32, i32
  }
}

</mosaic_0001>

<sc_bundles>
// kernel: kernel.4.cloned.1.call-start
scs
__scs_entry_jumppad:
0x0: {  	(pc) =	sbr.rel $0x88, $3  }
0x1: {  	(tag) =	ssettag $0x0;
	lr =	simm.s32 $0x1  }
0x2: {  	[smem:$0x3F8B] =	sst lr;
	_ =	strace $0xD0000000  }
0x3: {  	_ = 	snop  }
0x4: {  	_ = 	snop  }
0x5: {  	_ = 	snop  }
0x6: {  	_ = 	snop  }
0x7: {  	_ = 	snop  }
__scs_overlays_trampoline_lowered:
0x8: {  	[smem:$0x3F9A] =	sst s0  }
0x9: {  	[smem:$0x3F9B] =	sst s1  }
0xa: {  	[smem:$0x3F9C] =	sst s2  }
0xb: {  	[smem:$0x3F9D] =	sst s3  }
0xc: {  	[smem:$0x3F9E] =	sst s4  }
0xd: {  	[smem:$0x3F9F] =	sst s5  }
0xe: {  	[smem:$0x3FA0] =	sst s6  }
0xf: {  	[smem:$0x3FA1] =	sst s7  }
0x10: {  	[smem:$0x3FA2] =	sst s8  }
0x11: {  	[smem:$0x3FA3] =	sst s9;
	s0 =	simm.s32 @!p0 $0x0  }
0x12: {  	s1 =	sld [smem:$0x3F89];
	s0 =	simm.s32 @p0 $0x1  }
0x13: {  	[smem:$0x3FA4] =	sst s0;
	s0 =	simm.s32 @!p1 $0x0  }
0x14: {  	s2 =	sld [smem:$0x3F88];
	s0 =	simm.s32 @p1 $0x1  }
0x15: {  	[smem:$0x3FA5] =	sst s0;
	s0 =	simm.s32 @!p2 $0x0  }
0x16: {  	s3 =	sld [smem:$0x3FDB];
	s0 =	simm.s32 @p2 $0x1  }
0x17: {  	s4 =	simm.s32 $0x1BF5;
	[smem:$0x3FA7] =	sst s0  }
0x18: {  	s0 =	sld [smem:$0x3F8A];
	_ =	swait.ge [sflag:s4], $0x0  }
0x19: {  	s7 =	sld [smem:$0x3F8B]  }
0x1a: {  	s8 =	sadd.s32 $0xFFFFE003, lr  }
0x1b: {  	s9 =	sadd.s32 $0xFFFFFEF7, lr;
	s5 =	simm.s32 $0xFFFFFFFF;
	p2 =	slt.u32 s8, $0xFFFFF086  }
0x1c: {  	p1 =	slt.u32 s9, $0xF7A;
	s5 =	simm.s32 @!p2 $0x0  }
0x1d: {  	s5 =	simm.s32 @p1 $0x1;
	p0 =	seq.s32 s7, s2  }
0x1e: {  	s7 =	smul.u32 @!p0 $0xF7A, s2;
	p2 =	seq.s32 @!p0 s5, $0x0  }
0x1f: {  	s9 =	smul.u32 $0xF7A, s1;
	s8 =	simm.s32 @!p0 $0x1BF5;
	p2 =	por !p2, p0  }
0x20: {  	[sflag:s8] =	ssyncset.s32 @!p0 $0xFFFFF086;
	s6 =	sadd.s32 @!p0 s3, s7;
	s7 =	simm.s32 @!p0 $0x108  }
0x21: {  	s3 =	sadd.s32 s3, s9;
	s6 =	sadd.s32 @!p0 $0x88, s6;
	s7 =	simm.s32 @p2 $0x1082  }
0x22: {  	[simem:s7], [sflag:s8] =	dma.local @!p0 [hbm:s6], $0xF7A  }
0x23: {  	s9 =	sor.u32 $0xD0000000, s2;
	s6 =	simm.s32 $0x108;
	_ =	swait.ge @!p0 [sflag:s8], $0x0  }
0x24: {  	s3 =	sadd.s32 $0x88, s3;
	s6 =	simm.s32 @!p1 $0x1082;
	[sflag:s4] =	ssyncset.s32 $0xFFFFF086  }
0x25: {  	[simem:s6], [sflag:s4] =	dma.local [hbm:s3], $0xF7A  }
0x26: {  	[smem:$0x3F8B] =	sst s1;
	(tag) =	ssettag s2;
	_ =	strace s9  }
0x27: {  	s1 =	sld [smem:$0x3F9B]  }
0x28: {  	s2 =	sld [smem:$0x3F9C]  }
0x29: {  	s4 =	sld [smem:$0x3F9E]  }
0x2a: {  	p0 =	seq.s32 s5, $0x0;
	s5 =	sld [smem:$0x3F9F]  }
0x2b: {  	s6 =	sld [smem:$0x3FA0]  }
0x2c: {  	s7 =	sld [smem:$0x3FA1]  }
0x2d: {  	s3 =	simm.s32 $0x108;
	s8 =	sld [smem:$0x3FA2]  }
0x2e: {  	s3 =	simm.s32 @!p0 $0x1082;
	s9 =	sld [smem:$0x3FA3]  }
0x2f: {  	lr =	sadd.s32 s0, s3;
	s0 =	sld [smem:$0x3F9A]  }
0x30: {  	s3 =	sld [smem:$0x3F9D]  }
0x31: {  	[smem:$0x3FA6] =	sst s10  }
0x32: {  	s10 =	sld [smem:$0x3FA4];
	_ =	sdelay $0x3  }
0x33: {  	p0 =	seq.s32 s10, $0x1;
	s10 =	sld [smem:$0x3FA6];
	_ =	sdelay $0x3  }
0x34: {  	[smem:$0x3FA6] =	sst s10  }
0x35: {  	s10 =	sld [smem:$0x3FA5];
	_ =	sdelay $0x3  }
0x36: {  	p1 =	seq.s32 s10, $0x1;
	s10 =	sld [smem:$0x3FA6];
	_ =	sdelay $0x3  }
0x37: {  	[smem:$0x3FA6] =	sst s10  }
0x38: {  	s10 =	sld [smem:$0x3FA7]  }
0x39: {  	_ = 	snop;
	(pc) =	sbr.ind lr, $3  }
0x3a: {  	_ = 	snop  }
0x3b: {  	_ = 	snop  }
0x3c: {  	p2 =	seq.s32 s10, $0x1;
	s10 =	sld [smem:$0x3FA6]  }
0x3d: {  	_ =	shalt  }
0x3e: {  	_ =	shalt  }
0x3f: {  	_ =	shalt  }
0x40: {  	_ =	shalt  }
0x41: {  	_ =	shalt  }
0x42: {  	_ =	shalt  }
0x43: {  	_ =	shalt  }
0x44: {  	_ =	shalt  }
0x45: {  	_ =	shalt  }
0x46: {  	_ =	shalt  }
0x47: {  	_ =	shalt  }
0x48: {  	_ =	shalt  }
0x49: {  	_ =	shalt  }
0x4a: {  	_ =	shalt  }
0x4b: {  	_ =	shalt  }
0x4c: {  	_ =	shalt  }
0x4d: {  	_ =	shalt  }
0x4e: {  	_ =	shalt  }
0x4f: {  	_ =	shalt  }
0x50: {  	_ =	shalt  }
0x51: {  	_ =	shalt  }
0x52: {  	_ =	shalt  }
0x53: {  	_ =	shalt  }
0x54: {  	_ =	shalt  }
0x55: {  	_ =	shalt  }
0x56: {  	_ =	shalt  }
0x57: {  	_ =	shalt  }
0x58: {  	_ =	shalt  }
0x59: {  	_ =	shalt  }
0x5a: {  	_ =	shalt  }
0x5b: {  	_ =	shalt  }
0x5c: {  	_ =	shalt  }
0x5d: {  	_ =	shalt  }
0x5e: {  	_ =	shalt  }
0x5f: {  	_ =	shalt  }
0x60: {  	_ =	shalt  }
0x61: {  	_ =	shalt  }
0x62: {  	_ =	shalt  }
0x63: {  	_ =	shalt  }
0x64: {  	_ =	shalt  }
0x65: {  	_ =	shalt  }
0x66: {  	_ =	shalt  }
0x67: {  	_ =	shalt  }
0x68: {  	_ =	shalt  }
0x69: {  	_ =	shalt  }
0x6a: {  	_ =	shalt  }
0x6b: {  	_ =	shalt  }
0x6c: {  	_ =	shalt  }
0x6d: {  	_ =	shalt  }
0x6e: {  	_ =	shalt  }
0x6f: {  	_ =	shalt  }
0x70: {  	_ =	shalt  }
0x71: {  	_ =	shalt  }
0x72: {  	_ =	shalt  }
0x73: {  	_ =	shalt  }
0x74: {  	_ =	shalt  }
0x75: {  	_ =	shalt  }
0x76: {  	_ =	shalt  }
0x77: {  	_ =	shalt  }
0x78: {  	_ =	shalt  }
0x79: {  	_ =	shalt  }
0x7a: {  	_ =	shalt  }
0x7b: {  	_ =	shalt  }
0x7c: {  	_ =	shalt  }
0x7d: {  	_ =	shalt  }
0x7e: {  	_ =	shalt  }
0x7f: {  	_ =	shalt  }
0x80: {  	_ =	shalt  }
0x81: {  	_ =	shalt  }
0x82: {  	_ =	shalt  }
0x83: {  	_ =	shalt  }
0x84: {  	_ =	shalt  }
0x85: {  	_ =	shalt  }
0x86: {  	_ =	shalt  }
0x87: {  	_ =	shalt  }
.Lfunc_end0:
.L_simem_size_0:
called_computation_lowered:
.L_overlay_start_0:
0x88: {  	s2 =	sld [smem:$0x3FD9]  }
0x89: {  	s3 =	sld [smem:$0x3FFE];
	_ =	sdelay $0x1  }
0x8a: {  	s1 =	srdreg.scid  }
0x8b: {  	s0 =	sand.u32 $0x1, s1  }
0x8c: {  	s17 =	sshll.u32 s0, $0xA;
	s2 =	sadd.s32 s3, s2  }
0x8d: {  	s2 =	sadd.s32 s2, s17  }
0x8e: {  	[smem:$0x3FB2] =	sst s2  }
0x8f: {  	_ = 	snop  }
0x90: {  	s2 =	sld [smem:$0x3FC8]  }
0x91: {  	s18 =	sld [smem:$0x3FD0];
	(tm) =	ssettm $0x1  }
0x92: {  	s4 =	sld [smem:$0x3FFB];
	_ =	sdelay $0x3  }
0x93: {  	_ =	strace s4  }
0x94: {  	s4 =	sld [smem:$0x3FFC];
	_ =	sdelay $0x3  }
0x95: {  	_ =	strace s4  }
0x96: {  	s4 =	sld [smem:$0x3FFD];
	_ =	sdelay $0x3  }
0x97: {  	_ =	strace s4  }
0x98: {  	_ =	strace $0x8FFFFFFF  }
0x99: {  	s19 =	sld [smem:$0x3FDB];
	_ =	sdelay $0x1  }
0x9a: {  	s5 =	simm.s32 $_scs_section_size  }
0x9b: {  	s6 =	simm.s32 $_size__tile_overlayer_lowered;
	s7 =	simm.s32 $_tile_overlayer_lowered  }
0x9c: {  	s22 =	simm.s32 $0x1BFF;
	s21 =	sshll.u32 s7, $0x1;
	s4 =	sadd.s32 s5, s19  }
0x9d: {  	s8 =	simm.s32 $0x0;
	s20 =	sshll.u32 s6, $0x1;
	s6 =	sadd.s32 s21, s4  }
0x9e: {  	[timem:s8], [sflag:s22] =	dma.local [hbm:s6], s20  }
0x9f: {  	_ =	swait.ge [sflag:s22], s20  }
0xa0: {  	s5 =	ssub.s32 $0x0, s20;
	[sflag:s22] =	ssyncset.done $0x0  }
0xa1: {  	[sflag:s22] =	ssyncadd.s32 s5;
	_ =	sdelay $0x1  }
0xa2: {  	s23 =	simm.s32 $0x1B8B  }
0xa3: {  	_ =	swait.ge [sflag:s23], $0x1  }
0xa4: {  	[sflag:s23] =	ssyncset.done $0x0  }
0xa5: {  	s25 =	simm.s32 $0x1B8E;
	s24 =	sld [smem:$0x3FFE];
	[sflag:s23] =	ssyncadd.s32 $0xFFFFFFFF  }
0xa6: {  	s26 =	simm.s32 $execute0_lowered;
	[smem:$0x3FD2] =	sst s25  }
0xa7: {  	s6 =	sshll.u32 s26, $0x1;
	_ =	strace $0x80000046;
	[dreg:$0x1] =	wrdreg $0xFFFFFFFF  }
0xa8: {  	s28 =	simm.s32 $_size_execute0_lowered;
	s4 =	sadd.s32 s4, s6;
	[dreg:$0x0] =	wrdreg $0x0  }
0xa9: {  	s6 =	sshll.u32 s28, $0x1;
	[dreg:$0x2] =	wrdreg s4  }
0xaa: {  	[dreg:$0x3] =	wrdreg s6  }
0xab: {  	[dreg:$0x4] =	wrdreg $0xC0  }
0xac: {  	_ =	task [dreg:s8], $0x5FFFF  }
0xad: {  	[dreg:$0x1] =	wrdreg $0xFFFFFFFF  }
0xae: {  	[dreg:$0x0] =	wrdreg $0x60  }
0xaf: {  	[dreg:$0x2] =	wrdreg s2  }
0xb0: {  	[dreg:$0x3] =	wrdreg s18  }
0xb1: {  	[dreg:$0x4] =	wrdreg s24  }
0xb2: {  	[dreg:$0x5] =	wrdreg $0x9  }
0xb3: {  	_ =	task.clear_ibuf [dreg:s8], $0x6FFFF;
	_ =	strace $0x90000046  }
0xb4: {  	s29 =	simm.s32 $0x9;
	_ =	strace $0x80000048  }
0xb5: {  	_ =	swait.ge [sflag:s29], $0x1  }
0xb6: {  	[sflag:s29] =	ssyncadd.s32 $0xFFFFFFFF  }
0xb7: {  	_ =	strace $0x90000048  }
0xb8: {  	_ =	sfence  }
0xb9: {  	s30 =	sld [smem:$0x0];
	_ =	sdelay $0x2  }
0xba: {  	s31 =	sshll.u32 s1, $0xD;
	s1 =	sshrl.u32 s1, $0x2  }
0xbb: {  	s3 =	sand.u32 $0x4000, s31;
	s1 =	sadd.s32 s1, s30  }
0xbc: {  	s0 =	sor.u32 s3, s0;
	s1 =	sshll.u32 s1, $0x11  }
0xbd: {  	s0 =	sor.u32 s1, s0  }
0xbe: {  	s0 =	sadd.s32 $0x8F2B, s0  }
0xbf: {  	[sflag:s0] =	ssyncadd.remote.s32 $0x1  }
0xc0: {  	_ =	sfence.sel $0xFFFF  }
0xc1: {  	[dreg:$0x0] =	wrdreg $0xFFFFFFFF;
	(pc) =	sbr.abs _section_cstart, $3  }
0xc2: {  	[dreg:$0x1] =	wrdreg $0xFFFFFFFF  }
0xc3: {  	_ =	task.clear_ibuf [dreg:s8], $0x2FFFF;
	_ =	strace $0x9FFFFFFF  }
0xc4: {  	(tm) =	ssettm $0x7FFFFFFF  }
0xc5: {  	_ =	shalt  }
tec
execute0_lowered:
.L_overlay_start_1:
0x0: {  	(tag) =	ssettag $0x1  }
0x1: {  	s1 =	rddreg [dreg:$0x0];
	s0 =	srdreg.scid  }
0x2: {  	s2 =	rddreg [dreg:$0x1];
	s3 =	stileid.u32  }
0x3: {  	s4 =	rddreg [dreg:$0x2];
	s18 =	simm.s32 $0x1;
	s20 =	simm.s32 $0x880  }
0x4: {  	s21 =	simm.s32 $0x1080;
	s22 =	simm.s32 $0x1880;
	s23 =	simm.s32 $0x2080  }
0x5: {  	s28 =	simm.s32 $0x4080;
	s29 =	simm.s32 $0x4880;
	s30 =	simm.s32 $0x5080  }
0x6: {  	s31 =	simm.s32 $0x5880;
	s10 =	simm.s32 $0x7080;
	s11 =	simm.s32 $0x7880  }
0x7: {  	s12 =	simm.s32 $0x8080;
	s13 =	simm.s32 $0x8880;
	s14 =	simm.s32 $0x9080  }
0x8: {  	s15 =	simm.s32 $0x9880;
	s16 =	simm.s32 $0xA080;
	s17 =	simm.s32 $0xA880  }
0x9: {  	s0 =	sand.u32 $0x1, s0;
	s5 =	sshll.u32 s3, $0x8;
	s3 =	simm.s32 $0x0  }
0xa: {  	s8 =	sadd.s32 $0x4000, s4;
	s4 =	sadd.s32 $0x100, s1;
	s6 =	sshll.u32 s0, $0x7  }
0xb: {  	[smem:$0x7FF] =	sst s3;
	s0 =	ssub.s32 $0x2, s0;
	s5 =	sor.u32 s6, s5  }
0xc: {  	_ =	strace $0x80000047;
	s7 =	sshrl.u32 s0, $0x1;
	s6 =	sshrl.u32 s5, $0x3  }
0xd: {  	s0 =	ssub.s32 s0, s7;
	s24 =	sshll.u32 s5, $0x7;
	s25 =	sor.u32 $0x40, s5  }
0xe: {  	s5 =	sadd.s32 $0x200, s1;
	s6 =	sadd.s32 s2, s6;
	s9 =	sshrl.u32 s25, $0x3  }
0xf: {  	s7 =	sshll.u32 s25, $0x7;
	s25 =	simm.s32 $0x3080;
	[dreg:$0x4] =	wrdreg s6  }
0x10: {  	s6 =	sadd.s32 s8, s24;
	s2 =	sadd.s32 s2, s9;
	s26 =	sadd.s32 s8, s7  }
0x11: {  	v2 =	vlaneseq.u32;
	s7 =	smax.u32 s0, $0x1;
	s8 =	simm.s32 $0x2;
	[dreg:$0x5] =	wrdreg s6  }
0x12: {  	vm0 =	vmmov $0xffff;
	v1 =	vshrl.u32 v2, $0x3;
	s0 =	simm.s32 $0x80;
	s24 =	simm.s32 $0x2880;
	[dreg:$0x6] =	wrdreg s2  }
0x13: {  	v0 =	vand.u32 $0x7, v2;
	v2 =	vor.u32 $0x8, v2;
	v1 =	vmul.u32 $0x8, v1;
	s6 =	sadd.s32 $0x300, s1;
	[dreg:$0x7] =	wrdreg s26;
	s26 =	simm.s32 $0x3880  }
.LBB2_1:
0x14: {  	s19 =	rddreg [dreg:$0x4]  }
0x15: {  	[tilespmem:s3], [sflag:$0x2] =	stream.linear.gather [hbm4b:s19+s3], $0x40, $0x38;
	[tilespmem:$0x10080] =	vst v63  }
0x16: {  	_ =	swait.ge [sflag:s8], $0x40  }
0x17: {  	[sflag:s8] =	ssyncset.done $0x0  }
0x18: {  	[sflag:s8] =	ssyncadd.s32 $0xFFFFFFC0  }
0x19: {  	v3 =	vld [tilespmem:$0x0];
	_ =	sdelay $0x4  }
0x1a: {  	v4 =	vshll.u32 v3, $0x3  }
0x1b: {  	v3 =	vand.u32 $0x7, v3;
	v4 =	vand.u32 $0xFFFFFFC0, v4  }
0x1c: {  	v3 =	vor.u32 v3, v4  }
0x1d: {  	v4 =	vperm.xlane v3, v0;
	_ =	sdelay $0x1  }
0x1e: {  	v4 =	vadd.s32 v1, v4;
	_ =	sdelay $0x4  }
0x1f: {  	[tilespmem:s0], [sflag:$0x1] =	stream.indirect_vreg.gather [hbm4b:s1+s3], $0x80, v4, vm0, $0xb8;
	[tilespmem:$0x10080] =	vst v63  }
0x20: {  	v3 =	vperm.xlane v3, v2  }
0x21: {  	[tilespmem:s20], [sflag:$0x1] =	stream.indirect_vreg.gather [hbm4b:s4+s3], $0x80, v4, vm0, $0xb8;
	[tilespmem:$0x10080] =	vst v63  }
0x22: {  	v3 =	vadd.s32 v1, v3  }
0x23: {  	[tilespmem:s21], [sflag:$0x1] =	stream.indirect_vreg.gather [hbm4b:s5+s3], $0x80, v4, vm0, $0xb8;
	[tilespmem:$0x10080] =	vst v63  }
0x24: {  	_ = 	snop  }
0x25: {  	[tilespmem:s22], [sflag:$0x1] =	stream.indirect_vreg.gather [hbm4b:s6+s3], $0x80, v4, vm0, $0xb8;
	[tilespmem:$0x10080] =	vst v63  }
0x26: {  	_ = 	snop  }
0x27: {  	[tilespmem:s23], [sflag:$0x1] =	stream.indirect_vreg.gather [hbm4b:s1+s3], $0x80, v3, vm0, $0xb8;
	[tilespmem:$0x10080] =	vst v63  }
0x28: {  	_ = 	snop  }
0x29: {  	[tilespmem:s24], [sflag:$0x1] =	stream.indirect_vreg.gather [hbm4b:s4+s3], $0x80, v3, vm0, $0xb8;
	[tilespmem:$0x10080] =	vst v63  }
0x2a: {  	_ = 	snop  }
0x2b: {  	[tilespmem:s25], [sflag:$0x1] =	stream.indirect_vreg.gather [hbm4b:s5+s3], $0x80, v3, vm0, $0xb8;
	[tilespmem:$0x10080] =	vst v63  }
0x2c: {  	_ = 	snop  }
0x2d: {  	[tilespmem:s26], [sflag:$0x1] =	stream.indirect_vreg.gather [hbm4b:s6+s3], $0x80, v3, vm0, $0xb8;
	[tilespmem:$0x10080] =	vst v63  }
0x2e: {  	v3 =	vld [tilespmem:$0x10];
	_ =	sdelay $0x4  }
0x2f: {  	v57 =	vshll.u32 v3, $0x3  }
0x30: {  	v3 =	vand.u32 $0x7, v3;
	v4 =	vand.u32 $0xFFFFFFC0, v57  }
0x31: {  	v3 =	vor.u32 v3, v4  }
0x32: {  	v4 =	vperm.xlane v3, v0;
	_ =	sdelay $0x1  }
0x33: {  	v4 =	vadd.s32 v1, v4;
	_ =	sdelay $0x4  }
0x34: {  	[tilespmem:s28], [sflag:$0x1] =	stream.indirect_vreg.gather [hbm4b:s1+s3], $0x80, v4, vm0, $0xb8;
	[tilespmem:$0x10080] =	vst v63  }
0x35: {  	v3 =	vperm.xlane v3, v2  }
0x36: {  	[tilespmem:s29], [sflag:$0x1] =	stream.indirect_vreg.gather [hbm4b:s4+s3], $0x80, v4, vm0, $0xb8;
	[tilespmem:$0x10080] =	vst v63  }
0x37: {  	v3 =	vadd.s32 v1, v3  }
0x38: {  	[tilespmem:s30], [sflag:$0x1] =	stream.indirect_vreg.gather [hbm4b:s5+s3], $0x80, v4, vm0, $0xb8;
	[tilespmem:$0x10080] =	vst v63  }
0x39: {  	_ = 	snop  }
0x3a: {  	[tilespmem:s31], [sflag:$0x1] =	stream.indirect_vreg.gather [hbm4b:s6+s3], $0x80, v4, vm0, $0xb8;
	[tilespmem:$0x10080] =	vst v63  }
0x3b: {  	s2 =	simm.s32 $0x6080  }
0x3c: {  	[tilespmem:s2], [sflag:$0x1] =	stream.indirect_vreg.gather [hbm4b:s1+s3], $0x80, v3, vm0, $0xb8;
	[tilespmem:$0x10080] =	vst v63  }
0x3d: {  	s9 =	simm.s32 $0x6880  }
0x3e: {  	[tilespmem:s9], [sflag:$0x1] =	stream.indirect_vreg.gather [hbm4b:s4+s3], $0x80, v3, vm0, $0xb8;
	[tilespmem:$0x10080] =	vst v63  }
0x3f: {  	_ = 	snop  }
0x40: {  	[tilespmem:s10], [sflag:$0x1] =	stream.indirect_vreg.gather [hbm4b:s5+s3], $0x80, v3, vm0, $0xb8;
	[tilespmem:$0x10080] =	vst v63  }
0x41: {  	_ = 	snop  }
0x42: {  	[tilespmem:s11], [sflag:$0x1] =	stream.indirect_vreg.gather [hbm4b:s6+s3], $0x80, v3, vm0, $0xb8;
	[tilespmem:$0x10080] =	vst v63  }
0x43: {  	v3 =	vld [tilespmem:$0x20];
	_ =	sdelay $0x4  }
0x44: {  	v58 =	vshll.u32 v3, $0x3  }
0x45: {  	v3 =	vand.u32 $0x7, v3;
	v4 =	vand.u32 $0xFFFFFFC0, v58  }
0x46: {  	v3 =	vor.u32 v3, v4  }
0x47: {  	v4 =	vperm.xlane v3, v0;
	_ =	sdelay $0x1  }
0x48: {  	v4 =	vadd.s32 v1, v4;
	_ =	sdelay $0x4  }
0x49: {  	[tilespmem:s12], [sflag:$0x1] =	stream.indirect_vreg.gather [hbm4b:s1+s3], $0x80, v4, vm0, $0xb8;
	[tilespmem:$0x10080] =	vst v63  }
0x4a: {  	v3 =	vperm.xlane v3, v2  }
0x4b: {  	[tilespmem:s13], [sflag:$0x1] =	stream.indirect_vreg.gather [hbm4b:s4+s3], $0x80, v4, vm0, $0xb8;
	[tilespmem:$0x10080] =	vst v63  }
0x4c: {  	v3 =	vadd.s32 v1, v3  }
0x4d: {  	[tilespmem:s14], [sflag:$0x1] =	stream.indirect_vreg.gather [hbm4b:s5+s3], $0x80, v4, vm0, $0xb8;
	[tilespmem:$0x10080] =	vst v63  }
0x4e: {  	_ = 	snop  }
0x4f: {  	[tilespmem:s15], [sflag:$0x1] =	stream.indirect_vreg.gather [hbm4b:s6+s3], $0x80, v4, vm0, $0xb8;
	[tilespmem:$0x10080] =	vst v63  }
0x50: {  	_ = 	snop  }
0x51: {  	[tilespmem:s16], [sflag:$0x1] =	stream.indirect_vreg.gather [hbm4b:s1+s3], $0x80, v3, vm0, $0xb8;
	[tilespmem:$0x10080] =	vst v63  }
0x52: {  	_ = 	snop  }
0x53: {  	[tilespmem:s17], [sflag:$0x1] =	stream.indirect_vreg.gather [hbm4b:s4+s3], $0x80, v3, vm0, $0xb8;
	[tilespmem:$0x10080] =	vst v63  }
0x54: {  	s9 =	simm.s32 $0xB080  }
0x55: {  	[tilespmem:s9], [sflag:$0x1] =	stream.indirect_vreg.gather [hbm4b:s5+s3], $0x80, v3, vm0, $0xb8;
	[tilespmem:$0x10080] =	vst v63  }
0x56: {  	s19 =	simm.s32 $0xB880  }
0x57: {  	[tilespmem:s19], [sflag:$0x1] =	stream.indirect_vreg.gather [hbm4b:s6+s3], $0x80, v3, vm0, $0xb8;
	[tilespmem:$0x10080] =	vst v63  }
0x58: {  	v3 =	vld [tilespmem:$0x30];
	_ =	sdelay $0x4  }
0x59: {  	v59 =	vshll.u32 v3, $0x3  }
0x5a: {  	v3 =	vand.u32 $0x7, v3;
	v4 =	vand.u32 $0xFFFFFFC0, v59  }
0x5b: {  	v3 =	vor.u32 v3, v4  }
0x5c: {  	v4 =	vperm.xlane v3, v0;
	_ =	sdelay $0x1  }
0x5d: {  	v4 =	vadd.s32 v1, v4;
	_ =	sdelay $0x3  }
0x5e: {  	s19 =	simm.s32 $0xC080  }
0x5f: {  	[tilespmem:s19], [sflag:$0x1] =	stream.indirect_vreg.gather [hbm4b:s1+s3], $0x80, v4, vm0, $0xb8;
	[tilespmem:$0x10080] =	vst v63  }
0x60: {  	v3 =	vperm.xlane v3, v2;
	s19 =	simm.s32 $0xC880  }
0x61: {  	[tilespmem:s19], [sflag:$0x1] =	stream.indirect_vreg.gather [hbm4b:s4+s3], $0x80, v4, vm0, $0xb8;
	[tilespmem:$0x10080] =	vst v63  }
0x62: {  	v3 =	vadd.s32 v1, v3;
	s19 =	simm.s32 $0xD080  }
0x63: {  	[tilespmem:s19], [sflag:$0x1] =	stream.indirect_vreg.gather [hbm4b:s5+s3], $0x80, v4, vm0, $0xb8;
	[tilespmem:$0x10080] =	vst v63  }
0x64: {  	s19 =	simm.s32 $0xD880  }
0x65: {  	[tilespmem:s19], [sflag:$0x1] =	stream.indirect_vreg.gather [hbm4b:s6+s3], $0x80, v4, vm0, $0xb8;
	[tilespmem:$0x10080] =	vst v63  }
0x66: {  	s19 =	simm.s32 $0xE080  }
0x67: {  	[tilespmem:s19], [sflag:$0x1] =	stream.indirect_vreg.gather [hbm4b:s1+s3], $0x80, v3, vm0, $0xb8;
	[tilespmem:$0x10080] =	vst v63  }
0x68: {  	s19 =	simm.s32 $0xE880  }
0x69: {  	[tilespmem:s19], [sflag:$0x1] =	stream.indirect_vreg.gather [hbm4b:s4+s3], $0x80, v3, vm0, $0xb8;
	[tilespmem:$0x10080] =	vst v63  }
0x6a: {  	s19 =	simm.s32 $0xF080  }
0x6b: {  	[tilespmem:s19], [sflag:$0x1] =	stream.indirect_vreg.gather [hbm4b:s5+s3], $0x80, v3, vm0, $0xb8;
	[tilespmem:$0x10080] =	vst v63  }
0x6c: {  	s19 =	simm.s32 $0xF880  }
0x6d: {  	[tilespmem:s19], [sflag:$0x1] =	stream.indirect_vreg.gather [hbm4b:s6+s3], $0x80, v3, vm0, $0xb8;
	[tilespmem:$0x10080] =	vst v63  }
0x6e: {  	_ =	swait.ge [sflag:s18], $0x10000  }
0x6f: {  	[sflag:s18] =	ssyncset.done $0x0  }
0x70: {  	s19 =	rddreg [dreg:$0x5];
	[sflag:s18] =	ssyncadd.s32 $0xFFFF0000  }
0x71: {  	[hbm4b:s19+s3] =	stream.linear.scatter [tilespmem:s0], [sflag:$0x2], $0x10000, $0x38;
	[tilespmem:$0x10080] =	vst v63  }
0x72: {  	_ =	swait.ge [sflag:s8], $0x10000  }
0x73: {  	[sflag:s8] =	ssyncset.done $0x0  }
0x74: {  	s19 =	rddreg [dreg:$0x6];
	[sflag:s8] =	ssyncadd.s32 $0xFFFF0000  }
0x75: {  	[tilespmem:s3], [sflag:$0x2] =	stream.linear.gather [hbm4b:s19+s3], $0x40, $0x38;
	[tilespmem:$0x10080] =	vst v63  }
0x76: {  	_ =	swait.ge [sflag:s8], $0x40  }
0x77: {  	[sflag:s8] =	ssyncset.done $0x0  }
0x78: {  	[sflag:s8] =	ssyncadd.s32 $0xFFFFFFC0  }
0x79: {  	v3 =	vld [tilespmem:$0x0];
	_ =	sdelay $0x4  }
0x7a: {  	v60 =	vshll.u32 v3, $0x3  }
0x7b: {  	v3 =	vand.u32 $0x7, v3;
	v4 =	vand.u32 $0xFFFFFFC0, v60  }
0x7c: {  	v3 =	vor.u32 v3, v4  }
0x7d: {  	v4 =	vperm.xlane v3, v0;
	_ =	sdelay $0x1  }
0x7e: {  	v4 =	vadd.s32 v1, v4;
	_ =	sdelay $0x4  }
0x7f: {  	[tilespmem:s0], [sflag:$0x1] =	stream.indirect_vreg.gather [hbm4b:s1+s3], $0x80, v4, vm0, $0xb8;
	[tilespmem:$0x10080] =	vst v63  }
0x80: {  	v3 =	vperm.xlane v3, v2  }
0x81: {  	[tilespmem:s20], [sflag:$0x1] =	stream.indirect_vreg.gather [hbm4b:s4+s3], $0x80, v4, vm0, $0xb8;
	[tilespmem:$0x10080] =	vst v63  }
0x82: {  	v3 =	vadd.s32 v1, v3  }
0x83: {  	[tilespmem:s21], [sflag:$0x1] =	stream.indirect_vreg.gather [hbm4b:s5+s3], $0x80, v4, vm0, $0xb8;
	[tilespmem:$0x10080] =	vst v63  }
0x84: {  	_ = 	snop  }
0x85: {  	[tilespmem:s22], [sflag:$0x1] =	stream.indirect_vreg.gather [hbm4b:s6+s3], $0x80, v4, vm0, $0xb8;
	[tilespmem:$0x10080] =	vst v63  }
0x86: {  	_ = 	snop  }
0x87: {  	[tilespmem:s23], [sflag:$0x1] =	stream.indirect_vreg.gather [hbm4b:s1+s3], $0x80, v3, vm0, $0xb8;
	[tilespmem:$0x10080] =	vst v63  }
0x88: {  	_ = 	snop  }
0x89: {  	[tilespmem:s24], [sflag:$0x1] =	stream.indirect_vreg.gather [hbm4b:s4+s3], $0x80, v3, vm0, $0xb8;
	[tilespmem:$0x10080] =	vst v63  }
0x8a: {  	_ = 	snop  }
0x8b: {  	[tilespmem:s25], [sflag:$0x1] =	stream.indirect_vreg.gather [hbm4b:s5+s3], $0x80, v3, vm0, $0xb8;
	[tilespmem:$0x10080] =	vst v63  }
0x8c: {  	_ = 	snop  }
0x8d: {  	[tilespmem:s26], [sflag:$0x1] =	stream.indirect_vreg.gather [hbm4b:s6+s3], $0x80, v3, vm0, $0xb8;
	[tilespmem:$0x10080] =	vst v63  }
0x8e: {  	v3 =	vld [tilespmem:$0x10];
	_ =	sdelay $0x4  }
0x8f: {  	v61 =	vshll.u32 v3, $0x3  }
0x90: {  	v3 =	vand.u32 $0x7, v3;
	v4 =	vand.u32 $0xFFFFFFC0, v61  }
0x91: {  	v3 =	vor.u32 v3, v4  }
0x92: {  	v4 =	vperm.xlane v3, v0;
	_ =	sdelay $0x1  }
0x93: {  	v4 =	vadd.s32 v1, v4;
	_ =	sdelay $0x4  }
0x94: {  	[tilespmem:s28], [sflag:$0x1] =	stream.indirect_vreg.gather [hbm4b:s1+s3], $0x80, v4, vm0, $0xb8;
	[tilespmem:$0x10080] =	vst v63  }
0x95: {  	v3 =	vperm.xlane v3, v2  }
0x96: {  	[tilespmem:s29], [sflag:$0x1] =	stream.indirect_vreg.gather [hbm4b:s4+s3], $0x80, v4, vm0, $0xb8;
	[tilespmem:$0x10080] =	vst v63  }
0x97: {  	v3 =	vadd.s32 v1, v3  }
0x98: {  	[tilespmem:s30], [sflag:$0x1] =	stream.indirect_vreg.gather [hbm4b:s5+s3], $0x80, v4, vm0, $0xb8;
	[tilespmem:$0x10080] =	vst v63  }
0x99: {  	_ = 	snop  }
0x9a: {  	[tilespmem:s31], [sflag:$0x1] =	stream.indirect_vreg.gather [hbm4b:s6+s3], $0x80, v4, vm0, $0xb8;
	[tilespmem:$0x10080] =	vst v63  }
0x9b: {  	_ = 	snop  }
0x9c: {  	[tilespmem:s2], [sflag:$0x1] =	stream.indirect_vreg.gather [hbm4b:s1+s3], $0x80, v3, vm0, $0xb8;
	[tilespmem:$0x10080] =	vst v63  }
0x9d: {  	s19 =	simm.s32 $0x6880  }
0x9e: {  	[tilespmem:s19], [sflag:$0x1] =	stream.indirect_vreg.gather [hbm4b:s4+s3], $0x80, v3, vm0, $0xb8;
	[tilespmem:$0x10080] =	vst v63  }
0x9f: {  	_ = 	snop  }
0xa0: {  	[tilespmem:s10], [sflag:$0x1] =	stream.indirect_vreg.gather [hbm4b:s5+s3], $0x80, v3, vm0, $0xb8;
	[tilespmem:$0x10080] =	vst v63  }
0xa1: {  	_ = 	snop  }
0xa2: {  	[tilespmem:s11], [sflag:$0x1] =	stream.indirect_vreg.gather [hbm4b:s6+s3], $0x80, v3, vm0, $0xb8;
	[tilespmem:$0x10080] =	vst v63  }
0xa3: {  	v3 =	vld [tilespmem:$0x20];
	_ =	sdelay $0x4  }
0xa4: {  	v62 =	vshll.u32 v3, $0x3  }
0xa5: {  	v3 =	vand.u32 $0x7, v3;
	v4 =	vand.u32 $0xFFFFFFC0, v62  }
0xa6: {  	v3 =	vor.u32 v3, v4  }
0xa7: {  	v4 =	vperm.xlane v3, v0;
	_ =	sdelay $0x1  }
0xa8: {  	v4 =	vadd.s32 v1, v4;
	_ =	sdelay $0x4  }
0xa9: {  	[tilespmem:s12], [sflag:$0x1] =	stream.indirect_vreg.gather [hbm4b:s1+s3], $0x80, v4, vm0, $0xb8;
	[tilespmem:$0x10080] =	vst v63  }
0xaa: {  	v3 =	vperm.xlane v3, v2  }
0xab: {  	[tilespmem:s13], [sflag:$0x1] =	stream.indirect_vreg.gather [hbm4b:s4+s3], $0x80, v4, vm0, $0xb8;
	[tilespmem:$0x10080] =	vst v63  }
0xac: {  	v3 =	vadd.s32 v1, v3  }
0xad: {  	[tilespmem:s14], [sflag:$0x1] =	stream.indirect_vreg.gather [hbm4b:s5+s3], $0x80, v4, vm0, $0xb8;
	[tilespmem:$0x10080] =	vst v63  }
0xae: {  	_ = 	snop  }
0xaf: {  	[tilespmem:s15], [sflag:$0x1] =	stream.indirect_vreg.gather [hbm4b:s6+s3], $0x80, v4, vm0, $0xb8;
	[tilespmem:$0x10080] =	vst v63  }
0xb0: {  	_ = 	snop  }
0xb1: {  	[tilespmem:s16], [sflag:$0x1] =	stream.indirect_vreg.gather [hbm4b:s1+s3], $0x80, v3, vm0, $0xb8;
	[tilespmem:$0x10080] =	vst v63  }
0xb2: {  	_ = 	snop  }
0xb3: {  	[tilespmem:s17], [sflag:$0x1] =	stream.indirect_vreg.gather [hbm4b:s4+s3], $0x80, v3, vm0, $0xb8;
	[tilespmem:$0x10080] =	vst v63  }
0xb4: {  	_ = 	snop  }
0xb5: {  	[tilespmem:s9], [sflag:$0x1] =	stream.indirect_vreg.gather [hbm4b:s5+s3], $0x80, v3, vm0, $0xb8;
	[tilespmem:$0x10080] =	vst v63  }
0xb6: {  	s19 =	simm.s32 $0xB880  }
0xb7: {  	[tilespmem:s19], [sflag:$0x1] =	stream.indirect_vreg.gather [hbm4b:s6+s3], $0x80, v3, vm0, $0xb8;
	[tilespmem:$0x10080] =	vst v63  }
0xb8: {  	v3 =	vld [tilespmem:$0x30];
	_ =	sdelay $0x4  }
0xb9: {  	v63 =	vshll.u32 v3, $0x3  }
0xba: {  	v3 =	vand.u32 $0x7, v3;
	v4 =	vand.u32 $0xFFFFFFC0, v63  }
0xbb: {  	v3 =	vor.u32 v3, v4  }
0xbc: {  	v4 =	vperm.xlane v3, v0;
	_ =	sdelay $0x1  }
0xbd: {  	v4 =	vadd.s32 v1, v4;
	_ =	sdelay $0x3  }
0xbe: {  	s9 =	simm.s32 $0xC080  }
0xbf: {  	[tilespmem:s9], [sflag:$0x1] =	stream.indirect_vreg.gather [hbm4b:s1+s3], $0x80, v4, vm0, $0xb8;
	[tilespmem:$0x10080] =	vst v63  }
0xc0: {  	s19 =	simm.s32 $0xC880;
	v3 =	vperm.xlane v3, v2  }
0xc1: {  	[tilespmem:s19], [sflag:$0x1] =	stream.indirect_vreg.gather [hbm4b:s4+s3], $0x80, v4, vm0, $0xb8;
	[tilespmem:$0x10080] =	vst v63  }
0xc2: {  	v3 =	vadd.s32 v1, v3;
	s9 =	simm.s32 $0xD080  }
0xc3: {  	[tilespmem:s9], [sflag:$0x1] =	stream.indirect_vreg.gather [hbm4b:s5+s3], $0x80, v4, vm0, $0xb8;
	[tilespmem:$0x10080] =	vst v63  }
0xc4: {  	s19 =	simm.s32 $0xD880  }
0xc5: {  	[tilespmem:s19], [sflag:$0x1] =	stream.indirect_vreg.gather [hbm4b:s6+s3], $0x80, v4, vm0, $0xb8;
	[tilespmem:$0x10080] =	vst v63  }
0xc6: {  	s9 =	simm.s32 $0xE080  }
0xc7: {  	[tilespmem:s9], [sflag:$0x1] =	stream.indirect_vreg.gather [hbm4b:s1+s3], $0x80, v3, vm0, $0xb8;
	[tilespmem:$0x10080] =	vst v63  }
0xc8: {  	s19 =	simm.s32 $0xE880  }
0xc9: {  	[tilespmem:s19], [sflag:$0x1] =	stream.indirect_vreg.gather [hbm4b:s4+s3], $0x80, v3, vm0, $0xb8;
	[tilespmem:$0x10080] =	vst v63  }
0xca: {  	s9 =	simm.s32 $0xF080  }
0xcb: {  	[tilespmem:s9], [sflag:$0x1] =	stream.indirect_vreg.gather [hbm4b:s5+s3], $0x80, v3, vm0, $0xb8;
	[tilespmem:$0x10080] =	vst v63  }
0xcc: {  	s19 =	simm.s32 $0xF880  }
0xcd: {  	[tilespmem:s19], [sflag:$0x1] =	stream.indirect_vreg.gather [hbm4b:s6+s3], $0x80, v3, vm0, $0xb8;
	[tilespmem:$0x10080] =	vst v63  }
0xce: {  	_ =	swait.ge [sflag:s18], $0x10000  }
0xcf: {  	p0 =	sne.s32 s7, $0x1;
	[sflag:s18] =	ssyncset.done $0x0  }
.Ltmp0:
0xd0: {  	s9 =	rddreg [dreg:$0x7];
	[sflag:s18] =	ssyncadd.s32 $0xFFFF0000;
	(pc) =	sbr.rel @p0 .LBB2_1-.Ltmp0, $4  }
0xd1: {  	[hbm4b:s9+s3] =	stream.linear.scatter [tilespmem:s0], [sflag:$0x2], $0x10000, $0x38;
	[tilespmem:$0x10080] =	vst v63  }
0xd2: {  	_ =	swait.ge [sflag:s8], $0x10000  }
0xd3: {  	[sflag:s8] =	ssyncset.done $0x0  }
0xd4: {  	s7 =	sadd.s32 $0xFFFFFFFF, s7;
	[sflag:s8] =	ssyncadd.s32 $0xFFFF0000  }
0xd5: {  	_ =	sfence.sel $0x180000  }
0xd6: {  	[bflag:$0x0] =	sbarrier.arrive $0xFFFF  }
0xd7: {  	_ =	strace $0x90000047  }
0xd8: {  	s0 =	stileid.u32;
	[bflag:$0x2] =	sbarrier.arrive $0xFFFF  }
0xd9: {  	p0 =	sne.s32 s0, $0x0;
	s0 =	rddreg [dreg:$0x3]  }
0xda: {  	s0 =	sadd.s32 @!p0 $0x100000, s0  }
0xdb: {  	[sflag:s0] =	ssyncadd.tile.s32 @!p0 $0x1;
	_ =	shalt  }
.Lfunc_end2:
_tile_overlayer_lowered:
.L_overlay_start_2:
0xdc: {  	(tag) =	ssettag $0x2  }
0xdd: {  	s0 =	rddreg [dreg:$0x0];
	s2 =	stileid.u32  }
0xde: {  	s1 =	rddreg [dreg:$0x1];
	p0 =	sne.s32 s2, $0x0  }
0xdf: {  	s3 =	rddreg [dreg:$0x2];
	[bflag:$0x3] =	sbarrier.arrive $0xFFFF;
	s2 =	simm.s32 @!p0 $0x1C02  }
0xe0: {  	[timem:s3], [sflag:s2] =	dma.local @!p0 [hbm:s0], s1  }
0xe1: {  	s0 =	simm.s32 @!p0 $0x2  }
0xe2: {  	_ =	swait.ge @!p0 [sflag:s0], s1  }
0xe3: {  	s1 =	ssub.s32 @!p0 $0x0, s1;
	[sflag:s0] =	ssyncset.done @!p0 $0x0  }
0xe4: {  	[sflag:s0] =	ssyncadd.s32 @!p0 s1  }
0xe5: {  	[bflag:$0x3] =	sbarrier.arrive $0xFFFF  }
0xe6: {  	_ =	shalt  }

</sc_bundles>
